<compile_context>
chip_gen: v7x
topology: tpu7x:2x2x1
jax: 0.10.2.dev20260603
libtpu: 0.0.44.dev20260713+nightly
codegen_flags: <defaults>
</compile_context>

<pallas_src>
import functools

import jax
import jax.numpy as jnp
from jax import lax
from jax.experimental import pallas as pl
from jax.experimental.pallas import tpu as pltpu
from jax.experimental.pallas import tpu_sc as plsc

_NC = 2
_NS = 16
_NW = _NC * _NS


def _tc_repack(embed_t, v4p):
    D, V = embed_t.shape
    cols = 8192
    nblk = v4p // cols
    last_blk = (V - 1) // cols

    def repack_body(x0, x1, x2, x3, o_ref):
        xcat = jnp.concatenate(
            [x0[...], x1[...], x2[...], x3[...]], axis=0)
        o_ref[...] = xcat.T

    in_specs = [
        pl.BlockSpec(
            (D, cols),
            functools.partial(
                lambda j, i: (0, jnp.minimum(i + j * nblk, last_blk)), j))
        for j in range(4)
    ]
    return pl.pallas_call(
        repack_body,
        grid=(nblk,),
        in_specs=in_specs,
        out_specs=pl.BlockSpec((cols, 4 * D), lambda i: (i, 0)),
        out_shape=jax.ShapeDtypeStruct((v4p, 4 * D), embed_t.dtype),
    )(embed_t, embed_t, embed_t, embed_t)


def _sc_permute_ids(ids_tm, n, Bc, shift):
    q4 = Bc // 4
    b_per_w = n // _NW
    chunk = 1024
    n_chunks = b_per_w // chunk
    mask = (1 << shift) - 1
    mesh = plsc.VectorSubcoreMesh(core_axis_name="c", subcore_axis_name="s")

    @functools.partial(
        pl.kernel,
        mesh=mesh,
        out_type=jax.ShapeDtypeStruct((n,), jnp.int32),
        compiler_params=pltpu.CompilerParams(
            use_tc_tiling_on_sc=False, needs_layout_passes=False),
        scratch_types=[
            pltpu.VMEM((chunk,), jnp.int32),
            pltpu.VMEM((chunk,), jnp.int32),
        ],
    )
    def permute_kernel(idx_hbm, out_hbm, src_v, idx_v):
        wid = lax.axis_index("s") * _NC + lax.axis_index("c")
        base = wid * b_per_w
        r = lax.iota(jnp.int32, 16)
        pat = (chunk // 4) * (r & 3) + (r >> 2)

        @pl.loop(0, n_chunks)
        def _(ci):
            off = base + ci * chunk
            t_base = (off // Bc) * Bc
            c = (off - t_base) // chunk
            for j in range(4):
                s = t_base + q4 * j + (chunk // 4) * c
                pltpu.sync_copy(idx_hbm.at[pl.ds(s, chunk // 4)],
                                src_v.at[pl.ds(j * (chunk // 4), chunk // 4)])

            @pl.loop(0, chunk // 16)
            def _(m):
                g = plsc.load_gather(src_v, [pat + 4 * m])
                rid = 4 * (g & mask) + (g >> shift)
                idx_v[pl.ds(m * 16, 16)] = rid

            pltpu.sync_copy(idx_v, out_hbm.at[pl.ds(off, chunk)])

    return permute_kernel(ids_tm)


def _sc_gather(table, ids_f, n):
    d = table.shape[1]
    b_per_w = n // _NW
    chunk = 1024
    n_chunks = b_per_w // chunk
    assert n_chunks % 2 == 1
    mesh = plsc.VectorSubcoreMesh(core_axis_name="c", subcore_axis_name="s")

    @functools.partial(
        pl.kernel,
        mesh=mesh,
        out_type=jax.ShapeDtypeStruct((n, d), table.dtype),
        compiler_params=pltpu.CompilerParams(
            use_tc_tiling_on_sc=False, needs_layout_passes=False),
        scratch_types=[
            pltpu.VMEM((chunk,), jnp.int32),
            pltpu.VMEM((chunk,), jnp.int32),
            pltpu.VMEM((chunk, d), table.dtype),
            pltpu.VMEM((chunk, d), table.dtype),
            pltpu.SemaphoreType.DMA,
            pltpu.SemaphoreType.DMA,
            pltpu.SemaphoreType.DMA,
            pltpu.SemaphoreType.DMA,
            pltpu.SemaphoreType.DMA,
            pltpu.SemaphoreType.DMA,
        ],
    )
    def gather_kernel(table_hbm, idx_hbm, out_hbm,
                      idx_v0, idx_v1, rows_v0, rows_v1,
                      si0, si1, sg0, sg1, so0, so1):
        wid = lax.axis_index("s") * _NC + lax.axis_index("c")
        base = wid * b_per_w
        idx_v = (idx_v0, idx_v1)
        rows_v = (rows_v0, rows_v1)
        si = (si0, si1)
        sg = (sg0, sg1)
        so = (so0, so1)

        def do_chunk(cc, b, prefetch, out_wait):
            off = base + cc * chunk
            if prefetch:
                @pl.when(cc + 1 < n_chunks)
                def _():
                    noff = base + (cc + 1) * chunk
                    pltpu.async_copy(idx_hbm.at[pl.ds(noff, chunk)],
                                     idx_v[1 - b], si[1 - b])
            pltpu.make_async_copy(idx_hbm.at[pl.ds(off, chunk)],
                                  idx_v[b], si[b]).wait()
            if out_wait:
                @pl.when(cc >= 2)
                def _():
                    pltpu.make_async_copy(rows_v[b],
                                          out_hbm.at[pl.ds(off, chunk)],
                                          so[b]).wait()
            pltpu.async_copy(table_hbm.at[idx_v[b]], rows_v[b], sg[b]).wait()
            pltpu.async_copy(rows_v[b], out_hbm.at[pl.ds(off, chunk)], so[b])

        pltpu.async_copy(idx_hbm.at[pl.ds(base, chunk)], idx_v0, si0)

        @pl.loop(0, n_chunks - 1, step=2)
        def _(ci):
            do_chunk(ci, 0, True, True)
            do_chunk(ci + 1, 1, True, True)

        do_chunk(n_chunks - 1, 0, False, True)

        pltpu.make_async_copy(
            rows_v1, out_hbm.at[pl.ds(base + (n_chunks - 2) * chunk, chunk)],
            so1).wait()
        pltpu.make_async_copy(
            rows_v0, out_hbm.at[pl.ds(base + (n_chunks - 1) * chunk, chunk)],
            so0).wait()

    return gather_kernel(table, ids_f)


def _tc_proj(x2, Wblk, bcol, Tc, Bc, D):
    q = Bc // 4
    tblk = 8

    def proj_body(x_ref, w_ref, b_ref, o_ref):
        dn = (((1,), (1,)), ((), ()))
        for tt in range(tblk):
            xt = x_ref[tt * q:(tt + 1) * q, :]
            z = lax.dot_general(w_ref[...], xt, dn,
                                preferred_element_type=jnp.float32)
            z = z + b_ref[...]
            for j in range(4):
                o_ref[tt, :, j * q:(j + 1) * q] = z[j * D:(j + 1) * D, :]

    return pl.pallas_call(
        proj_body,
        grid=(Tc // tblk,),
        in_specs=[
            pl.BlockSpec((tblk * q, 4 * D), lambda i: (i, 0)),
            pl.BlockSpec((4 * D, 4 * D), lambda i: (0, 0)),
            pl.BlockSpec((4 * D, 1), lambda i: (0, 0)),
        ],
        out_specs=pl.BlockSpec((tblk, D, Bc), lambda i: (i, 0, 0)),
        out_shape=jax.ShapeDtypeStruct((Tc, D, Bc), jnp.float32),
    )(x2, Wblk, bcol)


def kernel(input_ids, embed, W, b):
    Bc, Tc = input_ids.shape
    V, D = embed.shape
    n = Bc * Tc
    q = Bc // 4

    shift = max(int(V - 1).bit_length() - 2, 1)
    v4p = 1 << shift

    table4 = _tc_repack(embed.T, v4p)
    table_lin = table4.reshape(4 * v4p, D)

    ids_tm = input_ids.T.reshape(n)
    ids_f = _sc_permute_ids(ids_tm, n, Bc, shift)
    x = _sc_gather(table_lin, ids_f, n)
    x2 = x.reshape(n // 4, 4 * D)

    Wblk = jnp.kron(jnp.eye(4, dtype=W.dtype), W)
    bcol = jnp.tile(b, 4)[:, None]
    yt = _tc_proj(x2, Wblk, bcol, Tc, Bc, D)

    return jnp.transpose(yt, (2, 0, 1))

# --- scband reference (transcript-rebuilt; emitter-appended) ---
"""Pipeline reference for scband-tiny-lm-70145405878357 (READ-ONLY COPY).

The authoritative reference and input builder live on the scoring server;
editing this copy changes nothing except your own understanding.
"""

import jax, jax.numpy as jnp
import numpy as np

VOCAB = 1000000
D = 32
B = 4096
T = 200

def setup_inputs(seed: int = 0) -> dict:
    key = jax.random.key(seed)
    k1, k2, k3, k4 = jax.random.split(key, 4)
    input_ids = jax.random.randint(k1, (B, T), 0, VOCAB, dtype=jnp.int64 if jax.config.jax_enable_x64 else jnp.int32).astype(jnp.int32)
    embed = jax.random.normal(k2, (VOCAB, D), dtype=jnp.float32) * 0.02
    W = jax.random.normal(k3, (D, D), dtype=jnp.float32) * (1.0 / np.sqrt(D))
    b = jax.random.normal(k4, (D,), dtype=jnp.float32) * 0.01
    return {"input_ids": input_ids, "embed": embed, "W": W, "b": b}

def reference(input_ids, embed, W, b):
    # x = self.embed(input_ids)
    x = jnp.take(embed, input_ids, axis=0)  # [B, T, D]
    Bc, Tc, Dc = x.shape
    # y = self.proj(x.view(B*T, D)).view(B, T, D)
    y = (x.reshape(Bc * Tc, Dc) @ W.T + b).reshape(Bc, Tc, Dc)
    return y

if __name__ == "__main__":
    import jax
    _d = setup_inputs()
    print(jax.jit(kernel)(*tuple(_d.values())))

</pallas_src>

<mosaic_0001>
#map = affine_map<(d0, d1) -> (0)>
module attributes {stable_mosaic.version = 14 : i64} {
  func.func @permute_kernel(%arg0: i32, %arg1: i32, %arg2: memref<819200xi32, #tpu.memory_space<hbm>>, %arg3: memref<819200xi32, #tpu.memory_space<hbm>>, %arg4: memref<1024xi32, #tpu.memory_space<vmem>>, %arg5: memref<1024xi32, #tpu.memory_space<vmem>>) attributes {dimension_semantics = [#tpu.dimension_semantics<core_parallel>, #tpu.dimension_semantics<subcore_parallel>], iteration_bounds = array<i64: 2, 16>, scalar_prefetch = 0 : i64, scratch_operands = 2 : i64, tpu.core_type = #tpu.core_type<sc_vector_subcore>, window_params = [{transform_indices = #map}, {transform_indices = #map}]} {
    %mul3A = arith.constant 2 : i32
    %mul3A_0 = arith.muli %arg1, %mul3A : i32
    %add3A = arith.addi %mul3A_0, %arg0 : i32
    %mul3A_1 = arith.constant 25600 : i32
    %mul3A_2 = arith.muli %add3A, %mul3A_1 : i32
    %iota3A = tpu.iota {dimensions = array<i32: 0>} : vector<16xi32>
    %and3A = arith.constant 3 : i32
    %and3A_3 = vector.broadcast %and3A : i32 to vector<16xi32>
    %and3A_4 = arith.andi %iota3A, %and3A_3 : vector<16xi32>
    %mul3A_5 = arith.constant 256 : i32
    %mul3A_6 = vector.broadcast %mul3A_5 : i32 to vector<16xi32>
    %mul3A_7 = arith.muli %mul3A_6, %and3A_4 : vector<16xi32>
    %shift_right_arithmetic3A = arith.constant 2 : i32
    %shift_right_arithmetic3A_8 = vector.broadcast %shift_right_arithmetic3A : i32 to vector<16xi32>
    %shift_right_arithmetic3A_9 = arith.shrsi %iota3A, %shift_right_arithmetic3A_8 : vector<16xi32>
    %add3A_10 = arith.addi %mul3A_7, %shift_right_arithmetic3A_9 : vector<16xi32>
    %scan3A = arith.constant 0 : i32
    %scan3A_11 = arith.constant 25 : i32
    %scan3A_12 = arith.addi %scan3A, %scan3A_11 : i32
    %scan3A_13 = arith.constant 1 : i32
    scf.for %scan3A_15 = %scan3A to %scan3A_12 step %scan3A_13  : i32 {
      %mul3A_16 = arith.constant 1 : i32
      %mul3A_17 = arith.muli %scan3A_15, %mul3A_16 : i32
      %add3A_18 = arith.constant 0 : i32
      %add3A_19 = arith.addi %add3A_18, %mul3A_17 : i32
      %mul3A_20 = arith.constant 1024 : i32
      %mul3A_21 = arith.muli %add3A_19, %mul3A_20 : i32
      %add3A_22 = arith.addi %mul3A_2, %mul3A_21 : i32
      %jit3A = arith.constant 4096 : i32
      %div3A = arith.divsi %add3A_22, %jit3A : i32
      %sign3A = arith.constant 0 : i32
      %sign3A_23 = arith.cmpi sgt, %add3A_22, %sign3A : i32
      %sign3A_24 = arith.extui %sign3A_23 : i1 to i32
      %sign3A_25 = arith.constant 0 : i32
      %sign3A_26 = arith.cmpi slt, %add3A_22, %sign3A_25 : i32
      %sign3A_27 = arith.extui %sign3A_26 : i1 to i32
      %sign3A_28 = arith.subi %sign3A_24, %sign3A_27 : i32
      %sign3A_29 = arith.constant 0 : i32
      %sign3A_30 = arith.cmpi sgt, %jit3A, %sign3A_29 : i32
      %sign3A_31 = arith.extui %sign3A_30 : i1 to i32
      %sign3A_32 = arith.constant 0 : i32
      %sign3A_33 = arith.cmpi slt, %jit3A, %sign3A_32 : i32
      %sign3A_34 = arith.extui %sign3A_33 : i1 to i32
      %sign3A_35 = arith.subi %sign3A_31, %sign3A_34 : i32
      %ne3A = arith.cmpi ne, %sign3A_28, %sign3A_35 : i32
      %rem3A = arith.remsi %add3A_22, %jit3A : i32
      %ne3A_36 = arith.constant 0 : i32
      %ne3A_37 = arith.cmpi ne, %rem3A, %ne3A_36 : i32
      %and3A_38 = arith.andi %ne3A, %ne3A_37 : i1
      %sub3A = arith.constant 1 : i32
      %sub3A_39 = arith.subi %div3A, %sub3A : i32
      %select_n3A = arith.select %and3A_38, %sub3A_39, %div3A : i32
      %mul3A_40 = arith.constant 4096 : i32
      %mul3A_41 = arith.muli %select_n3A, %mul3A_40 : i32
      %sub3A_42 = arith.subi %add3A_22, %mul3A_41 : i32
      %jit3A_43 = arith.constant 1024 : i32
      %div3A_44 = arith.divsi %sub3A_42, %jit3A_43 : i32
      %sign3A_45 = arith.constant 0 : i32
      %sign3A_46 = arith.cmpi sgt, %sub3A_42, %sign3A_45 : i32
      %sign3A_47 = arith.extui %sign3A_46 : i1 to i32
      %sign3A_48 = arith.constant 0 : i32
      %sign3A_49 = arith.cmpi slt, %sub3A_42, %sign3A_48 : i32
      %sign3A_50 = arith.extui %sign3A_49 : i1 to i32
      %sign3A_51 = arith.subi %sign3A_47, %sign3A_50 : i32
      %sign3A_52 = arith.constant 0 : i32
      %sign3A_53 = arith.cmpi sgt, %jit3A_43, %sign3A_52 : i32
      %sign3A_54 = arith.extui %sign3A_53 : i1 to i32
      %sign3A_55 = arith.constant 0 : i32
      %sign3A_56 = arith.cmpi slt, %jit3A_43, %sign3A_55 : i32
      %sign3A_57 = arith.extui %sign3A_56 : i1 to i32
      %sign3A_58 = arith.subi %sign3A_54, %sign3A_57 : i32
      %ne3A_59 = arith.cmpi ne, %sign3A_51, %sign3A_58 : i32
      %rem3A_60 = arith.remsi %sub3A_42, %jit3A_43 : i32
      %ne3A_61 = arith.constant 0 : i32
      %ne3A_62 = arith.cmpi ne, %rem3A_60, %ne3A_61 : i32
      %and3A_63 = arith.andi %ne3A_59, %ne3A_62 : i1
      %sub3A_64 = arith.constant 1 : i32
      %sub3A_65 = arith.subi %div3A_44, %sub3A_64 : i32
      %select_n3A_66 = arith.select %and3A_63, %sub3A_65, %div3A_44 : i32
      %add3A_67 = arith.constant 0 : i32
      %add3A_68 = arith.addi %mul3A_41, %add3A_67 : i32
      %mul3A_69 = arith.constant 256 : i32
      %mul3A_70 = arith.muli %mul3A_69, %select_n3A_66 : i32
      %add3A_71 = arith.addi %add3A_68, %mul3A_70 : i32
      "tpu.region"() ({
        %run_scoped3A = tpu.sem_alloc : memref<!tpu.dma_semaphore, #tpu.memory_space<semaphore_mem>>
        %dma_start3A = arith.constant 0 : i32
        %dma_start3A_92 = tpu.memref_slice %arg4[%dma_start3A] : memref<1024xi32, #tpu.memory_space<vmem>> -> memref<256xi32, #tpu.memory_space<vmem>>
        %dma_start3A_93 = tpu.memref_slice %arg2[%add3A_71] : memref<819200xi32, #tpu.memory_space<hbm>> -> memref<256xi32, #tpu.memory_space<hbm>>
        %dma_start3A_94 = arith.constant 0 : i32
        %dma_start3A_95 = tpu.memref_slice %arg4[%dma_start3A_94] : memref<1024xi32, #tpu.memory_space<vmem>> -> memref<256xi32, #tpu.memory_space<vmem>>
        %dma_start3A_96 = tpu.memref_slice %arg2[%add3A_71] : memref<819200xi32, #tpu.memory_space<hbm>> -> memref<256xi32, #tpu.memory_space<hbm>>
        tpu.enqueue_dma source(%dma_start3A_96 : memref<256xi32, #tpu.memory_space<hbm>>) target(%dma_start3A_95 : memref<256xi32, #tpu.memory_space<vmem>>) target_semaphore(%run_scoped3A : memref<!tpu.dma_semaphore, #tpu.memory_space<semaphore_mem>>)
        %dma_wait3A = arith.constant 0 : i32
        %dma_wait3A_97 = tpu.memref_slice %arg4[%dma_wait3A] : memref<1024xi32, #tpu.memory_space<vmem>> -> memref<256xi32, #tpu.memory_space<vmem>>
        %dma_wait3A_98 = tpu.memref_slice %arg2[%add3A_71] : memref<819200xi32, #tpu.memory_space<hbm>> -> memref<256xi32, #tpu.memory_space<hbm>>
        %dma_wait3A_99 = arith.constant 0 : i32
        %dma_wait3A_100 = tpu.memref_slice %arg4[%dma_wait3A_99] : memref<1024xi32, #tpu.memory_space<vmem>> -> memref<256xi32, #tpu.memory_space<vmem>>
        %dma_wait3A_101 = tpu.memref_slice %arg2[%add3A_71] : memref<819200xi32, #tpu.memory_space<hbm>> -> memref<256xi32, #tpu.memory_space<hbm>>
        tpu.wait_dma2 semaphore(%run_scoped3A : memref<!tpu.dma_semaphore, #tpu.memory_space<semaphore_mem>>) src(%dma_wait3A_101 : memref<256xi32, #tpu.memory_space<hbm>>) dst(%dma_wait3A_100 : memref<256xi32, #tpu.memory_space<vmem>>)
        tpu.yield
      }) : () -> ()
      %add3A_72 = arith.constant 1024 : i32
      %add3A_73 = arith.addi %mul3A_41, %add3A_72 : i32
      %mul3A_74 = arith.constant 256 : i32
      %mul3A_75 = arith.muli %mul3A_74, %select_n3A_66 : i32
      %add3A_76 = arith.addi %add3A_73, %mul3A_75 : i32
      "tpu.region"() ({
        %run_scoped3A = tpu.sem_alloc : memref<!tpu.dma_semaphore, #tpu.memory_space<semaphore_mem>>
        %dma_start3A = arith.constant 256 : i32
        %dma_start3A_92 = tpu.memref_slice %arg4[%dma_start3A] : memref<1024xi32, #tpu.memory_space<vmem>> -> memref<256xi32, #tpu.memory_space<vmem>>
        %dma_start3A_93 = tpu.memref_slice %arg2[%add3A_76] : memref<819200xi32, #tpu.memory_space<hbm>> -> memref<256xi32, #tpu.memory_space<hbm>>
        %dma_start3A_94 = arith.constant 256 : i32
        %dma_start3A_95 = tpu.memref_slice %arg4[%dma_start3A_94] : memref<1024xi32, #tpu.memory_space<vmem>> -> memref<256xi32, #tpu.memory_space<vmem>>
        %dma_start3A_96 = tpu.memref_slice %arg2[%add3A_76] : memref<819200xi32, #tpu.memory_space<hbm>> -> memref<256xi32, #tpu.memory_space<hbm>>
        tpu.enqueue_dma source(%dma_start3A_96 : memref<256xi32, #tpu.memory_space<hbm>>) target(%dma_start3A_95 : memref<256xi32, #tpu.memory_space<vmem>>) target_semaphore(%run_scoped3A : memref<!tpu.dma_semaphore, #tpu.memory_space<semaphore_mem>>)
        %dma_wait3A = arith.constant 256 : i32
        %dma_wait3A_97 = tpu.memref_slice %arg4[%dma_wait3A] : memref<1024xi32, #tpu.memory_space<vmem>> -> memref<256xi32, #tpu.memory_space<vmem>>
        %dma_wait3A_98 = tpu.memref_slice %arg2[%add3A_76] : memref<819200xi32, #tpu.memory_space<hbm>> -> memref<256xi32, #tpu.memory_space<hbm>>
        %dma_wait3A_99 = arith.constant 256 : i32
        %dma_wait3A_100 = tpu.memref_slice %arg4[%dma_wait3A_99] : memref<1024xi32, #tpu.memory_space<vmem>> -> memref<256xi32, #tpu.memory_space<vmem>>
        %dma_wait3A_101 = tpu.memref_slice %arg2[%add3A_76] : memref<819200xi32, #tpu.memory_space<hbm>> -> memref<256xi32, #tpu.memory_space<hbm>>
        tpu.wait_dma2 semaphore(%run_scoped3A : memref<!tpu.dma_semaphore, #tpu.memory_space<semaphore_mem>>) src(%dma_wait3A_101 : memref<256xi32, #tpu.memory_space<hbm>>) dst(%dma_wait3A_100 : memref<256xi32, #tpu.memory_space<vmem>>)
        tpu.yield
      }) : () -> ()
      %add3A_77 = arith.constant 2048 : i32
      %add3A_78 = arith.addi %mul3A_41, %add3A_77 : i32
      %mul3A_79 = arith.constant 256 : i32
      %mul3A_80 = arith.muli %mul3A_79, %select_n3A_66 : i32
      %add3A_81 = arith.addi %add3A_78, %mul3A_80 : i32
      "tpu.region"() ({
        %run_scoped3A = tpu.sem_alloc : memref<!tpu.dma_semaphore, #tpu.memory_space<semaphore_mem>>
        %dma_start3A = arith.constant 512 : i32
        %dma_start3A_92 = tpu.memref_slice %arg4[%dma_start3A] : memref<1024xi32, #tpu.memory_space<vmem>> -> memref<256xi32, #tpu.memory_space<vmem>>
        %dma_start3A_93 = tpu.memref_slice %arg2[%add3A_81] : memref<819200xi32, #tpu.memory_space<hbm>> -> memref<256xi32, #tpu.memory_space<hbm>>
        %dma_start3A_94 = arith.constant 512 : i32
        %dma_start3A_95 = tpu.memref_slice %arg4[%dma_start3A_94] : memref<1024xi32, #tpu.memory_space<vmem>> -> memref<256xi32, #tpu.memory_space<vmem>>
        %dma_start3A_96 = tpu.memref_slice %arg2[%add3A_81] : memref<819200xi32, #tpu.memory_space<hbm>> -> memref<256xi32, #tpu.memory_space<hbm>>
        tpu.enqueue_dma source(%dma_start3A_96 : memref<256xi32, #tpu.memory_space<hbm>>) target(%dma_start3A_95 : memref<256xi32, #tpu.memory_space<vmem>>) target_semaphore(%run_scoped3A : memref<!tpu.dma_semaphore, #tpu.memory_space<semaphore_mem>>)
        %dma_wait3A = arith.constant 512 : i32
        %dma_wait3A_97 = tpu.memref_slice %arg4[%dma_wait3A] : memref<1024xi32, #tpu.memory_space<vmem>> -> memref<256xi32, #tpu.memory_space<vmem>>
        %dma_wait3A_98 = tpu.memref_slice %arg2[%add3A_81] : memref<819200xi32, #tpu.memory_space<hbm>> -> memref<256xi32, #tpu.memory_space<hbm>>
        %dma_wait3A_99 = arith.constant 512 : i32
        %dma_wait3A_100 = tpu.memref_slice %arg4[%dma_wait3A_99] : memref<1024xi32, #tpu.memory_space<vmem>> -> memref<256xi32, #tpu.memory_space<vmem>>
        %dma_wait3A_101 = tpu.memref_slice %arg2[%add3A_81] : memref<819200xi32, #tpu.memory_space<hbm>> -> memref<256xi32, #tpu.memory_space<hbm>>
        tpu.wait_dma2 semaphore(%run_scoped3A : memref<!tpu.dma_semaphore, #tpu.memory_space<semaphore_mem>>) src(%dma_wait3A_101 : memref<256xi32, #tpu.memory_space<hbm>>) dst(%dma_wait3A_100 : memref<256xi32, #tpu.memory_space<vmem>>)
        tpu.yield
      }) : () -> ()
      %add3A_82 = arith.constant 3072 : i32
      %add3A_83 = arith.addi %mul3A_41, %add3A_82 : i32
      %mul3A_84 = arith.constant 256 : i32
      %mul3A_85 = arith.muli %mul3A_84, %select_n3A_66 : i32
      %add3A_86 = arith.addi %add3A_83, %mul3A_85 : i32
      "tpu.region"() ({
        %run_scoped3A = tpu.sem_alloc : memref<!tpu.dma_semaphore, #tpu.memory_space<semaphore_mem>>
        %dma_start3A = arith.constant 768 : i32
        %dma_start3A_92 = tpu.memref_slice %arg4[%dma_start3A] : memref<1024xi32, #tpu.memory_space<vmem>> -> memref<256xi32, #tpu.memory_space<vmem>>
        %dma_start3A_93 = tpu.memref_slice %arg2[%add3A_86] : memref<819200xi32, #tpu.memory_space<hbm>> -> memref<256xi32, #tpu.memory_space<hbm>>
        %dma_start3A_94 = arith.constant 768 : i32
        %dma_start3A_95 = tpu.memref_slice %arg4[%dma_start3A_94] : memref<1024xi32, #tpu.memory_space<vmem>> -> memref<256xi32, #tpu.memory_space<vmem>>
        %dma_start3A_96 = tpu.memref_slice %arg2[%add3A_86] : memref<819200xi32, #tpu.memory_space<hbm>> -> memref<256xi32, #tpu.memory_space<hbm>>
        tpu.enqueue_dma source(%dma_start3A_96 : memref<256xi32, #tpu.memory_space<hbm>>) target(%dma_start3A_95 : memref<256xi32, #tpu.memory_space<vmem>>) target_semaphore(%run_scoped3A : memref<!tpu.dma_semaphore, #tpu.memory_space<semaphore_mem>>)
        %dma_wait3A = arith.constant 768 : i32
        %dma_wait3A_97 = tpu.memref_slice %arg4[%dma_wait3A] : memref<1024xi32, #tpu.memory_space<vmem>> -> memref<256xi32, #tpu.memory_space<vmem>>
        %dma_wait3A_98 = tpu.memref_slice %arg2[%add3A_86] : memref<819200xi32, #tpu.memory_space<hbm>> -> memref<256xi32, #tpu.memory_space<hbm>>
        %dma_wait3A_99 = arith.constant 768 : i32
        %dma_wait3A_100 = tpu.memref_slice %arg4[%dma_wait3A_99] : memref<1024xi32, #tpu.memory_space<vmem>> -> memref<256xi32, #tpu.memory_space<vmem>>
        %dma_wait3A_101 = tpu.memref_slice %arg2[%add3A_86] : memref<819200xi32, #tpu.memory_space<hbm>> -> memref<256xi32, #tpu.memory_space<hbm>>
        tpu.wait_dma2 semaphore(%run_scoped3A : memref<!tpu.dma_semaphore, #tpu.memory_space<semaphore_mem>>) src(%dma_wait3A_101 : memref<256xi32, #tpu.memory_space<hbm>>) dst(%dma_wait3A_100 : memref<256xi32, #tpu.memory_space<vmem>>)
        tpu.yield
      }) : () -> ()
      %scan3A_87 = arith.constant 0 : i32
      %scan3A_88 = arith.constant 64 : i32
      %scan3A_89 = arith.addi %scan3A_87, %scan3A_88 : i32
      %scan3A_90 = arith.constant 1 : i32
      scf.for %scan3A_92 = %scan3A_87 to %scan3A_89 step %scan3A_90  : i32 {
        %mul3A_93 = arith.constant 1 : i32
        %mul3A_94 = arith.muli %scan3A_92, %mul3A_93 : i32
        %add3A_95 = arith.constant 0 : i32
        %add3A_96 = arith.addi %add3A_95, %mul3A_94 : i32
        %mul3A_97 = arith.constant 4 : i32
        %mul3A_98 = arith.muli %mul3A_97, %add3A_96 : i32
        %add3A_99 = vector.broadcast %mul3A_98 : i32 to vector<16xi32>
        %add3A_100 = arith.addi %add3A_10, %add3A_99 : vector<16xi32>
        %gather3A = tpu.vector_load_idx %arg4[%add3A_100] : memref<1024xi32, #tpu.memory_space<vmem>>[vector<16xi32>], vector<16xi32>,
        %and3A_101 = arith.constant 262143 : i32
        %and3A_102 = vector.broadcast %and3A_101 : i32 to vector<16xi32>
        %and3A_103 = arith.andi %gather3A, %and3A_102 : vector<16xi32>
        %mul3A_104 = arith.constant 4 : i32
        %mul3A_105 = vector.broadcast %mul3A_104 : i32 to vector<16xi32>
        %mul3A_106 = arith.muli %mul3A_105, %and3A_103 : vector<16xi32>
        %shift_right_arithmetic3A_107 = arith.constant 18 : i32
        %shift_right_arithmetic3A_108 = vector.broadcast %shift_right_arithmetic3A_107 : i32 to vector<16xi32>
        %shift_right_arithmetic3A_109 = arith.shrsi %gather3A, %shift_right_arithmetic3A_108 : vector<16xi32>
        %add3A_110 = arith.addi %mul3A_106, %shift_right_arithmetic3A_109 : vector<16xi32>
        %mul3A_111 = arith.constant 16 : i32
        %mul3A_112 = arith.muli %add3A_96, %mul3A_111 : i32
        %swap3A = arith.index_cast %mul3A_112 : i32 to index
        %swap3A_113 = tpu.vector_load %arg5[%swap3A] {strides = array<i32>} : memref<1024xi32, #tpu.memory_space<vmem>>, vector<16xi32>,
        tpu.vector_store %arg5[%swap3A], %add3A_110 {strides = array<i32>} : memref<1024xi32, #tpu.memory_space<vmem>>, vector<16xi32>,
      }
      %scan3A_91 = arith.constant 64 : i32
      "tpu.region"() ({
        %run_scoped3A = tpu.sem_alloc : memref<!tpu.dma_semaphore, #tpu.memory_space<semaphore_mem>>
        %dma_start3A = tpu.memref_slice %arg3[%add3A_22] : memref<819200xi32, #tpu.memory_space<hbm>> -> memref<1024xi32, #tpu.memory_space<hbm>>
        %dma_start3A_92 = tpu.memref_slice %arg3[%add3A_22] : memref<819200xi32, #tpu.memory_space<hbm>> -> memref<1024xi32, #tpu.memory_space<hbm>>
        tpu.enqueue_dma source(%arg5 : memref<1024xi32, #tpu.memory_space<vmem>>) target(%dma_start3A_92 : memref<1024xi32, #tpu.memory_space<hbm>>) target_semaphore(%run_scoped3A : memref<!tpu.dma_semaphore, #tpu.memory_space<semaphore_mem>>)
        %dma_wait3A = tpu.memref_slice %arg3[%add3A_22] : memref<819200xi32, #tpu.memory_space<hbm>> -> memref<1024xi32, #tpu.memory_space<hbm>>
        %dma_wait3A_93 = tpu.memref_slice %arg3[%add3A_22] : memref<819200xi32, #tpu.memory_space<hbm>> -> memref<1024xi32, #tpu.memory_space<hbm>>
        tpu.wait_dma2 semaphore(%run_scoped3A : memref<!tpu.dma_semaphore, #tpu.memory_space<semaphore_mem>>) src(%arg5 : memref<1024xi32, #tpu.memory_space<vmem>>) dst(%dma_wait3A_93 : memref<1024xi32, #tpu.memory_space<hbm>>)
        tpu.yield
      }) : () -> ()
    }
    %scan3A_14 = arith.constant 25 : i32
    return
  }
}

#map = affine_map<(d0, d1) -> (0, 0)>
#map1 = affine_map<(d0, d1) -> (0)>
module attributes {stable_mosaic.version = 14 : i64} {
  func.func @gather_kernel(%arg0: i32, %arg1: i32, %arg2: memref<1048576x32xf32, #tpu.memory_space<hbm>>, %arg3: memref<819200xi32, #tpu.memory_space<hbm>>, %arg4: memref<819200x32xf32, #tpu.memory_space<hbm>>, %arg5: memref<1024xi32, #tpu.memory_space<vmem>>, %arg6: memref<1024xi32, #tpu.memory_space<vmem>>, %arg7: memref<1024x32xf32, #tpu.memory_space<vmem>>, %arg8: memref<1024x32xf32, #tpu.memory_space<vmem>>, %arg9: memref<!tpu.dma_semaphore, #tpu.memory_space<semaphore_mem>>, %arg10: memref<!tpu.dma_semaphore, #tpu.memory_space<semaphore_mem>>, %arg11: memref<!tpu.dma_semaphore, #tpu.memory_space<semaphore_mem>>, %arg12: memref<!tpu.dma_semaphore, #tpu.memory_space<semaphore_mem>>, %arg13: memref<!tpu.dma_semaphore, #tpu.memory_space<semaphore_mem>>, %arg14: memref<!tpu.dma_semaphore, #tpu.memory_space<semaphore_mem>>) attributes {dimension_semantics = [#tpu.dimension_semantics<core_parallel>, #tpu.dimension_semantics<subcore_parallel>], iteration_bounds = array<i64: 2, 16>, scalar_prefetch = 0 : i64, scratch_operands = 10 : i64, tpu.core_type = #tpu.core_type<sc_vector_subcore>, window_params = [{transform_indices = #map}, {transform_indices = #map1}, {transform_indices = #map}]} {
    %mul3A = arith.constant 2 : i32
    %mul3A_0 = arith.muli %arg1, %mul3A : i32
    %add3A = arith.addi %mul3A_0, %arg0 : i32
    %mul3A_1 = arith.constant 25600 : i32
    %mul3A_2 = arith.muli %add3A, %mul3A_1 : i32
    %dma_start3A = tpu.memref_slice %arg3[%mul3A_2] : memref<819200xi32, #tpu.memory_space<hbm>> -> memref<1024xi32, #tpu.memory_space<hbm>>
    %dma_start3A_3 = tpu.memref_slice %arg3[%mul3A_2] : memref<819200xi32, #tpu.memory_space<hbm>> -> memref<1024xi32, #tpu.memory_space<hbm>>
    tpu.enqueue_dma source(%dma_start3A_3 : memref<1024xi32, #tpu.memory_space<hbm>>) target(%arg5 : memref<1024xi32, #tpu.memory_space<vmem>>) target_semaphore(%arg9 : memref<!tpu.dma_semaphore, #tpu.memory_space<semaphore_mem>>)
    %scan3A = arith.constant 0 : i32
    %scan3A_4 = arith.constant 12 : i32
    %scan3A_5 = arith.addi %scan3A, %scan3A_4 : i32
    %scan3A_6 = arith.constant 1 : i32
    scf.for %scan3A_37 = %scan3A to %scan3A_5 step %scan3A_6  : i32 {
      %mul3A_38 = arith.constant 2 : i32
      %mul3A_39 = arith.muli %scan3A_37, %mul3A_38 : i32
      %add3A_40 = arith.constant 0 : i32
      %add3A_41 = arith.addi %add3A_40, %mul3A_39 : i32
      %mul3A_42 = arith.constant 1024 : i32
      %mul3A_43 = arith.muli %add3A_41, %mul3A_42 : i32
      %add3A_44 = arith.addi %mul3A_2, %mul3A_43 : i32
      %add3A_45 = arith.constant 1 : i32
      %add3A_46 = arith.addi %add3A_41, %add3A_45 : i32
      %lt3A = arith.constant 25 : i32
      %lt3A_47 = arith.cmpi slt, %add3A_46, %lt3A : i32
      %convert_element_type3A = arith.extui %lt3A_47 : i1 to i32
      %cond3A = arith.constant 0 : i32
      %cond3A_48 = arith.cmpi ne, %convert_element_type3A, %cond3A : i32
      scf.if %cond3A_48 {
        %add3A_94 = arith.constant 1 : i32
        %add3A_95 = arith.addi %add3A_41, %add3A_94 : i32
        %mul3A_96 = arith.constant 1024 : i32
        %mul3A_97 = arith.muli %add3A_95, %mul3A_96 : i32
        %add3A_98 = arith.addi %mul3A_2, %mul3A_97 : i32
        %dma_start3A_99 = tpu.memref_slice %arg3[%add3A_98] : memref<819200xi32, #tpu.memory_space<hbm>> -> memref<1024xi32, #tpu.memory_space<hbm>>
        %dma_start3A_100 = tpu.memref_slice %arg3[%add3A_98] : memref<819200xi32, #tpu.memory_space<hbm>> -> memref<1024xi32, #tpu.memory_space<hbm>>
        tpu.enqueue_dma source(%dma_start3A_100 : memref<1024xi32, #tpu.memory_space<hbm>>) target(%arg6 : memref<1024xi32, #tpu.memory_space<vmem>>) target_semaphore(%arg10 : memref<!tpu.dma_semaphore, #tpu.memory_space<semaphore_mem>>)
      } else {
      }
      %dma_wait3A_49 = tpu.memref_slice %arg3[%add3A_44] : memref<819200xi32, #tpu.memory_space<hbm>> -> memref<1024xi32, #tpu.memory_space<hbm>>
      %dma_wait3A_50 = tpu.memref_slice %arg3[%add3A_44] : memref<819200xi32, #tpu.memory_space<hbm>> -> memref<1024xi32, #tpu.memory_space<hbm>>
      tpu.wait_dma2 semaphore(%arg9 : memref<!tpu.dma_semaphore, #tpu.memory_space<semaphore_mem>>) src(%dma_wait3A_50 : memref<1024xi32, #tpu.memory_space<hbm>>) dst(%arg5 : memref<1024xi32, #tpu.memory_space<vmem>>)
      %ge3A = arith.constant 2 : i32
      %ge3A_51 = arith.cmpi sge, %add3A_41, %ge3A : i32
      %convert_element_type3A_52 = arith.extui %ge3A_51 : i1 to i32
      %cond3A_53 = arith.constant 0 : i32
      %cond3A_54 = arith.cmpi ne, %convert_element_type3A_52, %cond3A_53 : i32
      scf.if %cond3A_54 {
        %dma_wait3A_94 = arith.constant 0 : i32
        %dma_wait3A_95 = tpu.memref_slice %arg4[%add3A_44, %dma_wait3A_94] : memref<819200x32xf32, #tpu.memory_space<hbm>> -> memref<1024x32xf32, #tpu.memory_space<hbm>>
        %dma_wait3A_96 = arith.constant 0 : i32
        %dma_wait3A_97 = tpu.memref_slice %arg4[%add3A_44, %dma_wait3A_96] : memref<819200x32xf32, #tpu.memory_space<hbm>> -> memref<1024x32xf32, #tpu.memory_space<hbm>>
        tpu.wait_dma2 semaphore(%arg13 : memref<!tpu.dma_semaphore, #tpu.memory_space<semaphore_mem>>) src(%arg7 : memref<1024x32xf32, #tpu.memory_space<vmem>>) dst(%dma_wait3A_97 : memref<1024x32xf32, #tpu.memory_space<hbm>>)
      } else {
      }
      %dma_start3A_55 = arith.constant 0 : i32
      %dma_start3A_56 = arith.constant 0 : i32
      %dma_start3A_57 = tpu.memref_slice %arg2[%dma_start3A_55, %dma_start3A_56] : memref<1048576x32xf32, #tpu.memory_space<hbm>> -> memref<1048576x32xf32, #tpu.memory_space<hbm>>
      tpu.enqueue_indirect_dma source(%dma_start3A_57 : memref<1048576x32xf32, #tpu.memory_space<hbm>>) target(%arg7 : memref<1024x32xf32, #tpu.memory_space<vmem>>) offsets(%arg5 : memref<1024xi32, #tpu.memory_space<vmem>>) semaphore(%arg11 : memref<!tpu.dma_semaphore, #tpu.memory_space<semaphore_mem>>)
      %dma_wait3A_58 = arith.constant 0 : i32
      %dma_wait3A_59 = arith.constant 0 : i32
      %dma_wait3A_60 = tpu.memref_slice %arg2[%dma_wait3A_58, %dma_wait3A_59] : memref<1048576x32xf32, #tpu.memory_space<hbm>> -> memref<1048576x32xf32, #tpu.memory_space<hbm>>
      tpu.wait_indirect_dma semaphore(%arg11 : memref<!tpu.dma_semaphore, #tpu.memory_space<semaphore_mem>>) src(%dma_wait3A_60 : memref<1048576x32xf32, #tpu.memory_space<hbm>>) dst(%arg7 : memref<1024x32xf32, #tpu.memory_space<vmem>>)
      %dma_start3A_61 = arith.constant 0 : i32
      %dma_start3A_62 = tpu.memref_slice %arg4[%add3A_44, %dma_start3A_61] : memref<819200x32xf32, #tpu.memory_space<hbm>> -> memref<1024x32xf32, #tpu.memory_space<hbm>>
      %dma_start3A_63 = arith.constant 0 : i32
      %dma_start3A_64 = tpu.memref_slice %arg4[%add3A_44, %dma_start3A_63] : memref<819200x32xf32, #tpu.memory_space<hbm>> -> memref<1024x32xf32, #tpu.memory_space<hbm>>
      tpu.enqueue_dma source(%arg7 : memref<1024x32xf32, #tpu.memory_space<vmem>>) target(%dma_start3A_64 : memref<1024x32xf32, #tpu.memory_space<hbm>>) target_semaphore(%arg13 : memref<!tpu.dma_semaphore, #tpu.memory_space<semaphore_mem>>)
      %add3A_65 = arith.constant 1 : i32
      %add3A_66 = arith.addi %add3A_41, %add3A_65 : i32
      %mul3A_67 = arith.constant 1024 : i32
      %mul3A_68 = arith.muli %add3A_66, %mul3A_67 : i32
      %add3A_69 = arith.addi %mul3A_2, %mul3A_68 : i32
      %add3A_70 = arith.constant 1 : i32
      %add3A_71 = arith.addi %add3A_66, %add3A_70 : i32
      %lt3A_72 = arith.constant 25 : i32
      %lt3A_73 = arith.cmpi slt, %add3A_71, %lt3A_72 : i32
      %convert_element_type3A_74 = arith.extui %lt3A_73 : i1 to i32
      %cond3A_75 = arith.constant 0 : i32
      %cond3A_76 = arith.cmpi ne, %convert_element_type3A_74, %cond3A_75 : i32
      scf.if %cond3A_76 {
        %add3A_94 = arith.constant 1 : i32
        %add3A_95 = arith.addi %add3A_66, %add3A_94 : i32
        %mul3A_96 = arith.constant 1024 : i32
        %mul3A_97 = arith.muli %add3A_95, %mul3A_96 : i32
        %add3A_98 = arith.addi %mul3A_2, %mul3A_97 : i32
        %dma_start3A_99 = tpu.memref_slice %arg3[%add3A_98] : memref<819200xi32, #tpu.memory_space<hbm>> -> memref<1024xi32, #tpu.memory_space<hbm>>
        %dma_start3A_100 = tpu.memref_slice %arg3[%add3A_98] : memref<819200xi32, #tpu.memory_space<hbm>> -> memref<1024xi32, #tpu.memory_space<hbm>>
        tpu.enqueue_dma source(%dma_start3A_100 : memref<1024xi32, #tpu.memory_space<hbm>>) target(%arg5 : memref<1024xi32, #tpu.memory_space<vmem>>) target_semaphore(%arg9 : memref<!tpu.dma_semaphore, #tpu.memory_space<semaphore_mem>>)
      } else {
      }
      %dma_wait3A_77 = tpu.memref_slice %arg3[%add3A_69] : memref<819200xi32, #tpu.memory_space<hbm>> -> memref<1024xi32, #tpu.memory_space<hbm>>
      %dma_wait3A_78 = tpu.memref_slice %arg3[%add3A_69] : memref<819200xi32, #tpu.memory_space<hbm>> -> memref<1024xi32, #tpu.memory_space<hbm>>
      tpu.wait_dma2 semaphore(%arg10 : memref<!tpu.dma_semaphore, #tpu.memory_space<semaphore_mem>>) src(%dma_wait3A_78 : memref<1024xi32, #tpu.memory_space<hbm>>) dst(%arg6 : memref<1024xi32, #tpu.memory_space<vmem>>)
      %ge3A_79 = arith.constant 2 : i32
      %ge3A_80 = arith.cmpi sge, %add3A_66, %ge3A_79 : i32
      %convert_element_type3A_81 = arith.extui %ge3A_80 : i1 to i32
      %cond3A_82 = arith.constant 0 : i32
      %cond3A_83 = arith.cmpi ne, %convert_element_type3A_81, %cond3A_82 : i32
      scf.if %cond3A_83 {
        %dma_wait3A_94 = arith.constant 0 : i32
        %dma_wait3A_95 = tpu.memref_slice %arg4[%add3A_69, %dma_wait3A_94] : memref<819200x32xf32, #tpu.memory_space<hbm>> -> memref<1024x32xf32, #tpu.memory_space<hbm>>
        %dma_wait3A_96 = arith.constant 0 : i32
        %dma_wait3A_97 = tpu.memref_slice %arg4[%add3A_69, %dma_wait3A_96] : memref<819200x32xf32, #tpu.memory_space<hbm>> -> memref<1024x32xf32, #tpu.memory_space<hbm>>
        tpu.wait_dma2 semaphore(%arg14 : memref<!tpu.dma_semaphore, #tpu.memory_space<semaphore_mem>>) src(%arg8 : memref<1024x32xf32, #tpu.memory_space<vmem>>) dst(%dma_wait3A_97 : memref<1024x32xf32, #tpu.memory_space<hbm>>)
      } else {
      }
      %dma_start3A_84 = arith.constant 0 : i32
      %dma_start3A_85 = arith.constant 0 : i32
      %dma_start3A_86 = tpu.memref_slice %arg2[%dma_start3A_84, %dma_start3A_85] : memref<1048576x32xf32, #tpu.memory_space<hbm>> -> memref<1048576x32xf32, #tpu.memory_space<hbm>>
      tpu.enqueue_indirect_dma source(%dma_start3A_86 : memref<1048576x32xf32, #tpu.memory_space<hbm>>) target(%arg8 : memref<1024x32xf32, #tpu.memory_space<vmem>>) offsets(%arg6 : memref<1024xi32, #tpu.memory_space<vmem>>) semaphore(%arg12 : memref<!tpu.dma_semaphore, #tpu.memory_space<semaphore_mem>>)
      %dma_wait3A_87 = arith.constant 0 : i32
      %dma_wait3A_88 = arith.constant 0 : i32
      %dma_wait3A_89 = tpu.memref_slice %arg2[%dma_wait3A_87, %dma_wait3A_88] : memref<1048576x32xf32, #tpu.memory_space<hbm>> -> memref<1048576x32xf32, #tpu.memory_space<hbm>>
      tpu.wait_indirect_dma semaphore(%arg12 : memref<!tpu.dma_semaphore, #tpu.memory_space<semaphore_mem>>) src(%dma_wait3A_89 : memref<1048576x32xf32, #tpu.memory_space<hbm>>) dst(%arg8 : memref<1024x32xf32, #tpu.memory_space<vmem>>)
      %dma_start3A_90 = arith.constant 0 : i32
      %dma_start3A_91 = tpu.memref_slice %arg4[%add3A_69, %dma_start3A_90] : memref<819200x32xf32, #tpu.memory_space<hbm>> -> memref<1024x32xf32, #tpu.memory_space<hbm>>
      %dma_start3A_92 = arith.constant 0 : i32
      %dma_start3A_93 = tpu.memref_slice %arg4[%add3A_69, %dma_start3A_92] : memref<819200x32xf32, #tpu.memory_space<hbm>> -> memref<1024x32xf32, #tpu.memory_space<hbm>>
      tpu.enqueue_dma source(%arg8 : memref<1024x32xf32, #tpu.memory_space<vmem>>) target(%dma_start3A_93 : memref<1024x32xf32, #tpu.memory_space<hbm>>) target_semaphore(%arg14 : memref<!tpu.dma_semaphore, #tpu.memory_space<semaphore_mem>>)
    }
    %scan3A_7 = arith.constant 12 : i32
    %add3A_8 = arith.constant 24576 : i32
    %add3A_9 = arith.addi %mul3A_2, %add3A_8 : i32
    %dma_wait3A = tpu.memref_slice %arg3[%add3A_9] : memref<819200xi32, #tpu.memory_space<hbm>> -> memref<1024xi32, #tpu.memory_space<hbm>>
    %dma_wait3A_10 = tpu.memref_slice %arg3[%add3A_9] : memref<819200xi32, #tpu.memory_space<hbm>> -> memref<1024xi32, #tpu.memory_space<hbm>>
    tpu.wait_dma2 semaphore(%arg9 : memref<!tpu.dma_semaphore, #tpu.memory_space<semaphore_mem>>) src(%dma_wait3A_10 : memref<1024xi32, #tpu.memory_space<hbm>>) dst(%arg5 : memref<1024xi32, #tpu.memory_space<vmem>>)
    %dma_wait3A_11 = arith.constant 0 : i32
    %dma_wait3A_12 = tpu.memref_slice %arg4[%add3A_9, %dma_wait3A_11] : memref<819200x32xf32, #tpu.memory_space<hbm>> -> memref<1024x32xf32, #tpu.memory_space<hbm>>
    %dma_wait3A_13 = arith.constant 0 : i32
    %dma_wait3A_14 = tpu.memref_slice %arg4[%add3A_9, %dma_wait3A_13] : memref<819200x32xf32, #tpu.memory_space<hbm>> -> memref<1024x32xf32, #tpu.memory_space<hbm>>
    tpu.wait_dma2 semaphore(%arg13 : memref<!tpu.dma_semaphore, #tpu.memory_space<semaphore_mem>>) src(%arg7 : memref<1024x32xf32, #tpu.memory_space<vmem>>) dst(%dma_wait3A_14 : memref<1024x32xf32, #tpu.memory_space<hbm>>)
    %dma_start3A_15 = arith.constant 0 : i32
    %dma_start3A_16 = arith.constant 0 : i32
    %dma_start3A_17 = tpu.memref_slice %arg2[%dma_start3A_15, %dma_start3A_16] : memref<1048576x32xf32, #tpu.memory_space<hbm>> -> memref<1048576x32xf32, #tpu.memory_space<hbm>>
    tpu.enqueue_indirect_dma source(%dma_start3A_17 : memref<1048576x32xf32, #tpu.memory_space<hbm>>) target(%arg7 : memref<1024x32xf32, #tpu.memory_space<vmem>>) offsets(%arg5 : memref<1024xi32, #tpu.memory_space<vmem>>) semaphore(%arg11 : memref<!tpu.dma_semaphore, #tpu.memory_space<semaphore_mem>>)
    %dma_wait3A_18 = arith.constant 0 : i32
    %dma_wait3A_19 = arith.constant 0 : i32
    %dma_wait3A_20 = tpu.memref_slice %arg2[%dma_wait3A_18, %dma_wait3A_19] : memref<1048576x32xf32, #tpu.memory_space<hbm>> -> memref<1048576x32xf32, #tpu.memory_space<hbm>>
    tpu.wait_indirect_dma semaphore(%arg11 : memref<!tpu.dma_semaphore, #tpu.memory_space<semaphore_mem>>) src(%dma_wait3A_20 : memref<1048576x32xf32, #tpu.memory_space<hbm>>) dst(%arg7 : memref<1024x32xf32, #tpu.memory_space<vmem>>)
    %dma_start3A_21 = arith.constant 0 : i32
    %dma_start3A_22 = tpu.memref_slice %arg4[%add3A_9, %dma_start3A_21] : memref<819200x32xf32, #tpu.memory_space<hbm>> -> memref<1024x32xf32, #tpu.memory_space<hbm>>
    %dma_start3A_23 = arith.constant 0 : i32
    %dma_start3A_24 = tpu.memref_slice %arg4[%add3A_9, %dma_start3A_23] : memref<819200x32xf32, #tpu.memory_space<hbm>> -> memref<1024x32xf32, #tpu.memory_space<hbm>>
    tpu.enqueue_dma source(%arg7 : memref<1024x32xf32, #tpu.memory_space<vmem>>) target(%dma_start3A_24 : memref<1024x32xf32, #tpu.memory_space<hbm>>) target_semaphore(%arg13 : memref<!tpu.dma_semaphore, #tpu.memory_space<semaphore_mem>>)
    %add3A_25 = arith.constant 23552 : i32
    %add3A_26 = arith.addi %mul3A_2, %add3A_25 : i32
    %dma_wait3A_27 = arith.constant 0 : i32
    %dma_wait3A_28 = tpu.memref_slice %arg4[%add3A_26, %dma_wait3A_27] : memref<819200x32xf32, #tpu.memory_space<hbm>> -> memref<1024x32xf32, #tpu.memory_space<hbm>>
    %dma_wait3A_29 = arith.constant 0 : i32
    %dma_wait3A_30 = tpu.memref_slice %arg4[%add3A_26, %dma_wait3A_29] : memref<819200x32xf32, #tpu.memory_space<hbm>> -> memref<1024x32xf32, #tpu.memory_space<hbm>>
    tpu.wait_dma2 semaphore(%arg14 : memref<!tpu.dma_semaphore, #tpu.memory_space<semaphore_mem>>) src(%arg8 : memref<1024x32xf32, #tpu.memory_space<vmem>>) dst(%dma_wait3A_30 : memref<1024x32xf32, #tpu.memory_space<hbm>>)
    %add3A_31 = arith.constant 24576 : i32
    %add3A_32 = arith.addi %mul3A_2, %add3A_31 : i32
    %dma_wait3A_33 = arith.constant 0 : i32
    %dma_wait3A_34 = tpu.memref_slice %arg4[%add3A_32, %dma_wait3A_33] : memref<819200x32xf32, #tpu.memory_space<hbm>> -> memref<1024x32xf32, #tpu.memory_space<hbm>>
    %dma_wait3A_35 = arith.constant 0 : i32
    %dma_wait3A_36 = tpu.memref_slice %arg4[%add3A_32, %dma_wait3A_35] : memref<819200x32xf32, #tpu.memory_space<hbm>> -> memref<1024x32xf32, #tpu.memory_space<hbm>>
    tpu.wait_dma2 semaphore(%arg13 : memref<!tpu.dma_semaphore, #tpu.memory_space<semaphore_mem>>) src(%arg7 : memref<1024x32xf32, #tpu.memory_space<vmem>>) dst(%dma_wait3A_36 : memref<1024x32xf32, #tpu.memory_space<hbm>>)
    return
  }
}

module attributes {stable_mosaic.version = 14 : i64} {
  func.func @repack_body(%arg0: i32, %arg1: memref<32x8192xf32, #tpu.memory_space<vmem>>, %arg2: memref<32x8192xf32, #tpu.memory_space<vmem>>, %arg3: memref<32x8192xf32, #tpu.memory_space<vmem>>, %arg4: memref<32x8192xf32, #tpu.memory_space<vmem>>, %arg5: memref<8192x128xf32, #tpu.memory_space<vmem>>) attributes {dimension_semantics = [#tpu.dimension_semantics<arbitrary>], iteration_bounds = array<i64: 32>, scalar_prefetch = 0 : i64, scratch_operands = 0 : i64, tpu.core_type = #tpu.core_type<tc>, window_params = [{transform_indices = @transform_0, window_bounds = array<i64: 32, 8192>}, {transform_indices = @transform_1, window_bounds = array<i64: 32, 8192>}, {transform_indices = @transform_2, window_bounds = array<i64: 32, 8192>}, {transform_indices = @transform_3, window_bounds = array<i64: 32, 8192>}, {transform_indices = @transform_4, window_bounds = array<i64: 8192, 128>}]} {
    %get3A = arith.constant 0 : index
    %get3A_0 = arith.constant 0 : index
    %get3A_1 = vector.load %arg1[%get3A, %get3A_0] : memref<32x8192xf32, #tpu.memory_space<vmem>>, vector<32x8192xf32>
    %get3A_2 = arith.constant 0 : index
    %get3A_3 = arith.constant 0 : index
    %get3A_4 = vector.load %arg2[%get3A_2, %get3A_3] : memref<32x8192xf32, #tpu.memory_space<vmem>>, vector<32x8192xf32>
    %get3A_5 = arith.constant 0 : index
    %get3A_6 = arith.constant 0 : index
    %get3A_7 = vector.load %arg3[%get3A_5, %get3A_6] : memref<32x8192xf32, #tpu.memory_space<vmem>>, vector<32x8192xf32>
    %get3A_8 = arith.constant 0 : index
    %get3A_9 = arith.constant 0 : index
    %get3A_10 = vector.load %arg4[%get3A_8, %get3A_9] : memref<32x8192xf32, #tpu.memory_space<vmem>>, vector<32x8192xf32>
    %concatenate3A = tpu.concatenate %get3A_1, %get3A_4, %get3A_7, %get3A_10 in 0 : vector<32x8192xf32>, vector<32x8192xf32>, vector<32x8192xf32>, vector<32x8192xf32> -> vector<128x8192xf32>
    %transpose3A = tpu.transpose %concatenate3A, [1, 0] : vector<128x8192xf32> -> vector<8192x128xf32>
    %swap3A = arith.constant 0 : index
    %swap3A_11 = arith.constant 0 : index
    %swap3A_12 = vector.load %arg5[%swap3A, %swap3A_11] : memref<8192x128xf32, #tpu.memory_space<vmem>>, vector<8192x128xf32>
    tpu.vector_store %arg5[%swap3A, %swap3A_11], %transpose3A {strides = array<i32>} : memref<8192x128xf32, #tpu.memory_space<vmem>>, vector<8192x128xf32>,
    return
  }
  func.func @transform_0(%arg0: i32) -> (i32, i32) {
    %add3A = arith.constant 0 : i32
    %add3A_0 = arith.addi %arg0, %add3A : i32
    %min3A = arith.constant 122 : i32
    %min3A_1 = arith.minsi %add3A_0, %min3A : i32
    %c0_i32 = arith.constant 0 : i32
    %c0_i32_2 = arith.constant 0 : i32
    return %c0_i32, %min3A_1 : i32, i32
  }
  func.func @transform_1(%arg0: i32) -> (i32, i32) {
    %add3A = arith.constant 32 : i32
    %add3A_0 = arith.addi %arg0, %add3A : i32
    %min3A = arith.constant 122 : i32
    %min3A_1 = arith.minsi %add3A_0, %min3A : i32
    %c0_i32 = arith.constant 0 : i32
    %c0_i32_2 = arith.constant 0 : i32
    return %c0_i32, %min3A_1 : i32, i32
  }
  func.func @transform_2(%arg0: i32) -> (i32, i32) {
    %add3A = arith.constant 64 : i32
    %add3A_0 = arith.addi %arg0, %add3A : i32
    %min3A = arith.constant 122 : i32
    %min3A_1 = arith.minsi %add3A_0, %min3A : i32
    %c0_i32 = arith.constant 0 : i32
    %c0_i32_2 = arith.constant 0 : i32
    return %c0_i32, %min3A_1 : i32, i32
  }
  func.func @transform_3(%arg0: i32) -> (i32, i32) {
    %add3A = arith.constant 96 : i32
    %add3A_0 = arith.addi %arg0, %add3A : i32
    %min3A = arith.constant 122 : i32
    %min3A_1 = arith.minsi %add3A_0, %min3A : i32
    %c0_i32 = arith.constant 0 : i32
    %c0_i32_2 = arith.constant 0 : i32
    return %c0_i32, %min3A_1 : i32, i32
  }
  func.func @transform_4(%arg0: i32) -> (i32, i32) {
    %c0_i32 = arith.constant 0 : i32
    %c0_i32_0 = arith.constant 0 : i32
    return %arg0, %c0_i32 : i32, i32
  }
}

module attributes {stable_mosaic.version = 14 : i64} {
  func.func @proj_body(%arg0: i32, %arg1: memref<8192x128xf32, #tpu.memory_space<vmem>>, %arg2: memref<128x128xf32, #tpu.memory_space<vmem>>, %arg3: memref<128x1xf32, #tpu.memory_space<vmem>>, %arg4: memref<8x32x4096xf32, #tpu.memory_space<vmem>>) attributes {dimension_semantics = [#tpu.dimension_semantics<arbitrary>], iteration_bounds = array<i64: 25>, scalar_prefetch = 0 : i64, scratch_operands = 0 : i64, tpu.core_type = #tpu.core_type<tc>, window_params = [{transform_indices = @transform_0, window_bounds = array<i64: 8192, 128>}, {pipeline_mode = #tpu.pipeline_mode<synchronous>, transform_indices = @transform_1, window_bounds = array<i64: 128, 128>}, {pipeline_mode = #tpu.pipeline_mode<synchronous>, transform_indices = @transform_2, window_bounds = array<i64: 128, 1>}, {transform_indices = @transform_3, window_bounds = array<i64: 8, 32, 4096>}]} {
    %get3A = arith.constant 0 : index
    %get3A_0 = arith.constant 0 : index
    %get3A_1 = vector.load %arg1[%get3A, %get3A_0] : memref<8192x128xf32, #tpu.memory_space<vmem>>, vector<1024x128xf32>
    %get3A_2 = arith.constant 0 : index
    %get3A_3 = arith.constant 0 : index
    %get3A_4 = vector.load %arg2[%get3A_2, %get3A_3] : memref<128x128xf32, #tpu.memory_space<vmem>>, vector<128x128xf32>
    %dot_general3A = arith.constant dense<0.000000e+00> : vector<128x1024xf32>
    %dot_general3A_5 = tpu.matmul %get3A_4, %get3A_1, %dot_general3A {dimension_numbers = #tpu.dot_dimension_numbers<[1], [1], [0], [0], [0, 0, 1, 0], [], []>, transpose_lhs_hint = false} : vector<128x128xf32>, vector<1024x128xf32>, vector<128x1024xf32> -> vector<128x1024xf32>
    %get3A_6 = arith.constant 0 : index
    %get3A_7 = arith.constant 0 : index
    %get3A_8 = vector.load %arg3[%get3A_6, %get3A_7] : memref<128x1xf32, #tpu.memory_space<vmem>>, vector<128x1xf32>
    %add3A = vector.broadcast %get3A_8 : vector<128x1xf32> to vector<128x1024xf32>
    %add3A_9 = arith.addf %dot_general3A_5, %add3A : vector<128x1024xf32>
    %slice3A = vector.extract_strided_slice %add3A_9 {offsets = [0, 0], sizes = [32, 1024], strides = [1, 1]} : vector<128x1024xf32> to vector<32x1024xf32>
    %swap3A = arith.constant 0 : index
    %swap3A_10 = arith.constant 0 : index
    %swap3A_11 = arith.constant 0 : index
    %swap3A_12 = vector.load %arg4[%swap3A, %swap3A_10, %swap3A_11] : memref<8x32x4096xf32, #tpu.memory_space<vmem>>, vector<1x32x1024xf32>
    %swap3A_13 = vector.shape_cast %swap3A_12 : vector<1x32x1024xf32> to vector<32x1024xf32>
    %swap3A_14 = vector.shape_cast %slice3A : vector<32x1024xf32> to vector<1x32x1024xf32>
    tpu.vector_store %arg4[%swap3A, %swap3A_10, %swap3A_11], %swap3A_14 {strides = array<i32>} : memref<8x32x4096xf32, #tpu.memory_space<vmem>>, vector<1x32x1024xf32>,
    %slice3A_15 = vector.extract_strided_slice %add3A_9 {offsets = [32, 0], sizes = [32, 1024], strides = [1, 1]} : vector<128x1024xf32> to vector<32x1024xf32>
    %swap3A_16 = arith.constant 0 : index
    %swap3A_17 = arith.constant 0 : index
    %swap3A_18 = arith.constant 1024 : index
    %swap3A_19 = vector.load %arg4[%swap3A_16, %swap3A_17, %swap3A_18] : memref<8x32x4096xf32, #tpu.memory_space<vmem>>, vector<1x32x1024xf32>
    %swap3A_20 = vector.shape_cast %swap3A_19 : vector<1x32x1024xf32> to vector<32x1024xf32>
    %swap3A_21 = vector.shape_cast %slice3A_15 : vector<32x1024xf32> to vector<1x32x1024xf32>
    tpu.vector_store %arg4[%swap3A_16, %swap3A_17, %swap3A_18], %swap3A_21 {strides = array<i32>} : memref<8x32x4096xf32, #tpu.memory_space<vmem>>, vector<1x32x1024xf32>,
    %slice3A_22 = vector.extract_strided_slice %add3A_9 {offsets = [64, 0], sizes = [32, 1024], strides = [1, 1]} : vector<128x1024xf32> to vector<32x1024xf32>
    %swap3A_23 = arith.constant 0 : index
    %swap3A_24 = arith.constant 0 : index
    %swap3A_25 = arith.constant 2048 : index
    %swap3A_26 = vector.load %arg4[%swap3A_23, %swap3A_24, %swap3A_25] : memref<8x32x4096xf32, #tpu.memory_space<vmem>>, vector<1x32x1024xf32>
    %swap3A_27 = vector.shape_cast %swap3A_26 : vector<1x32x1024xf32> to vector<32x1024xf32>
    %swap3A_28 = vector.shape_cast %slice3A_22 : vector<32x1024xf32> to vector<1x32x1024xf32>
    tpu.vector_store %arg4[%swap3A_23, %swap3A_24, %swap3A_25], %swap3A_28 {strides = array<i32>} : memref<8x32x4096xf32, #tpu.memory_space<vmem>>, vector<1x32x1024xf32>,
    %slice3A_29 = vector.extract_strided_slice %add3A_9 {offsets = [96, 0], sizes = [32, 1024], strides = [1, 1]} : vector<128x1024xf32> to vector<32x1024xf32>
    %swap3A_30 = arith.constant 0 : index
    %swap3A_31 = arith.constant 0 : index
    %swap3A_32 = arith.constant 3072 : index
    %swap3A_33 = vector.load %arg4[%swap3A_30, %swap3A_31, %swap3A_32] : memref<8x32x4096xf32, #tpu.memory_space<vmem>>, vector<1x32x1024xf32>
    %swap3A_34 = vector.shape_cast %swap3A_33 : vector<1x32x1024xf32> to vector<32x1024xf32>
    %swap3A_35 = vector.shape_cast %slice3A_29 : vector<32x1024xf32> to vector<1x32x1024xf32>
    tpu.vector_store %arg4[%swap3A_30, %swap3A_31, %swap3A_32], %swap3A_35 {strides = array<i32>} : memref<8x32x4096xf32, #tpu.memory_space<vmem>>, vector<1x32x1024xf32>,
    %get3A_36 = arith.constant 1024 : index
    %get3A_37 = arith.constant 0 : index
    %get3A_38 = vector.load %arg1[%get3A_36, %get3A_37] : memref<8192x128xf32, #tpu.memory_space<vmem>>, vector<1024x128xf32>
    %get3A_39 = arith.constant 0 : index
    %get3A_40 = arith.constant 0 : index
    %get3A_41 = vector.load %arg2[%get3A_39, %get3A_40] : memref<128x128xf32, #tpu.memory_space<vmem>>, vector<128x128xf32>
    %dot_general3A_42 = arith.constant dense<0.000000e+00> : vector<128x1024xf32>
    %dot_general3A_43 = tpu.matmul %get3A_41, %get3A_38, %dot_general3A_42 {dimension_numbers = #tpu.dot_dimension_numbers<[1], [1], [0], [0], [0, 0, 1, 0], [], []>, transpose_lhs_hint = false} : vector<128x128xf32>, vector<1024x128xf32>, vector<128x1024xf32> -> vector<128x1024xf32>
    %get3A_44 = arith.constant 0 : index
    %get3A_45 = arith.constant 0 : index
    %get3A_46 = vector.load %arg3[%get3A_44, %get3A_45] : memref<128x1xf32, #tpu.memory_space<vmem>>, vector<128x1xf32>
    %add3A_47 = vector.broadcast %get3A_46 : vector<128x1xf32> to vector<128x1024xf32>
    %add3A_48 = arith.addf %dot_general3A_43, %add3A_47 : vector<128x1024xf32>
    %slice3A_49 = vector.extract_strided_slice %add3A_48 {offsets = [0, 0], sizes = [32, 1024], strides = [1, 1]} : vector<128x1024xf32> to vector<32x1024xf32>
    %swap3A_50 = arith.constant 1 : index
    %swap3A_51 = arith.constant 0 : index
    %swap3A_52 = arith.constant 0 : index
    %swap3A_53 = vector.load %arg4[%swap3A_50, %swap3A_51, %swap3A_52] : memref<8x32x4096xf32, #tpu.memory_space<vmem>>, vector<1x32x1024xf32>
    %swap3A_54 = vector.shape_cast %swap3A_53 : vector<1x32x1024xf32> to vector<32x1024xf32>
    %swap3A_55 = vector.shape_cast %slice3A_49 : vector<32x1024xf32> to vector<1x32x1024xf32>
    tpu.vector_store %arg4[%swap3A_50, %swap3A_51, %swap3A_52], %swap3A_55 {strides = array<i32>} : memref<8x32x4096xf32, #tpu.memory_space<vmem>>, vector<1x32x1024xf32>,
    %slice3A_56 = vector.extract_strided_slice %add3A_48 {offsets = [32, 0], sizes = [32, 1024], strides = [1, 1]} : vector<128x1024xf32> to vector<32x1024xf32>
    %swap3A_57 = arith.constant 1 : index
    %swap3A_58 = arith.constant 0 : index
    %swap3A_59 = arith.constant 1024 : index
    %swap3A_60 = vector.load %arg4[%swap3A_57, %swap3A_58, %swap3A_59] : memref<8x32x4096xf32, #tpu.memory_space<vmem>>, vector<1x32x1024xf32>
    %swap3A_61 = vector.shape_cast %swap3A_60 : vector<1x32x1024xf32> to vector<32x1024xf32>
    %swap3A_62 = vector.shape_cast %slice3A_56 : vector<32x1024xf32> to vector<1x32x1024xf32>
    tpu.vector_store %arg4[%swap3A_57, %swap3A_58, %swap3A_59], %swap3A_62 {strides = array<i32>} : memref<8x32x4096xf32, #tpu.memory_space<vmem>>, vector<1x32x1024xf32>,
    %slice3A_63 = vector.extract_strided_slice %add3A_48 {offsets = [64, 0], sizes = [32, 1024], strides = [1, 1]} : vector<128x1024xf32> to vector<32x1024xf32>
    %swap3A_64 = arith.constant 1 : index
    %swap3A_65 = arith.constant 0 : index
    %swap3A_66 = arith.constant 2048 : index
    %swap3A_67 = vector.load %arg4[%swap3A_64, %swap3A_65, %swap3A_66] : memref<8x32x4096xf32, #tpu.memory_space<vmem>>, vector<1x32x1024xf32>
    %swap3A_68 = vector.shape_cast %swap3A_67 : vector<1x32x1024xf32> to vector<32x1024xf32>
    %swap3A_69 = vector.shape_cast %slice3A_63 : vector<32x1024xf32> to vector<1x32x1024xf32>
    tpu.vector_store %arg4[%swap3A_64, %swap3A_65, %swap3A_66], %swap3A_69 {strides = array<i32>} : memref<8x32x4096xf32, #tpu.memory_space<vmem>>, vector<1x32x1024xf32>,
    %slice3A_70 = vector.extract_strided_slice %add3A_48 {offsets = [96, 0], sizes = [32, 1024], strides = [1, 1]} : vector<128x1024xf32> to vector<32x1024xf32>
    %swap3A_71 = arith.constant 1 : index
    %swap3A_72 = arith.constant 0 : index
    %swap3A_73 = arith.constant 3072 : index
    %swap3A_74 = vector.load %arg4[%swap3A_71, %swap3A_72, %swap3A_73] : memref<8x32x4096xf32, #tpu.memory_space<vmem>>, vector<1x32x1024xf32>
    %swap3A_75 = vector.shape_cast %swap3A_74 : vector<1x32x1024xf32> to vector<32x1024xf32>
    %swap3A_76 = vector.shape_cast %slice3A_70 : vector<32x1024xf32> to vector<1x32x1024xf32>
    tpu.vector_store %arg4[%swap3A_71, %swap3A_72, %swap3A_73], %swap3A_76 {strides = array<i32>} : memref<8x32x4096xf32, #tpu.memory_space<vmem>>, vector<1x32x1024xf32>,
    %get3A_77 = arith.constant 2048 : index
    %get3A_78 = arith.constant 0 : index
    %get3A_79 = vector.load %arg1[%get3A_77, %get3A_78] : memref<8192x128xf32, #tpu.memory_space<vmem>>, vector<1024x128xf32>
    %get3A_80 = arith.constant 0 : index
    %get3A_81 = arith.constant 0 : index
    %get3A_82 = vector.load %arg2[%get3A_80, %get3A_81] : memref<128x128xf32, #tpu.memory_space<vmem>>, vector<128x128xf32>
    %dot_general3A_83 = arith.constant dense<0.000000e+00> : vector<128x1024xf32>
    %dot_general3A_84 = tpu.matmul %get3A_82, %get3A_79, %dot_general3A_83 {dimension_numbers = #tpu.dot_dimension_numbers<[1], [1], [0], [0], [0, 0, 1, 0], [], []>, transpose_lhs_hint = false} : vector<128x128xf32>, vector<1024x128xf32>, vector<128x1024xf32> -> vector<128x1024xf32>
    %get3A_85 = arith.constant 0 : index
    %get3A_86 = arith.constant 0 : index
    %get3A_87 = vector.load %arg3[%get3A_85, %get3A_86] : memref<128x1xf32, #tpu.memory_space<vmem>>, vector<128x1xf32>
    %add3A_88 = vector.broadcast %get3A_87 : vector<128x1xf32> to vector<128x1024xf32>
    %add3A_89 = arith.addf %dot_general3A_84, %add3A_88 : vector<128x1024xf32>
    %slice3A_90 = vector.extract_strided_slice %add3A_89 {offsets = [0, 0], sizes = [32, 1024], strides = [1, 1]} : vector<128x1024xf32> to vector<32x1024xf32>
    %swap3A_91 = arith.constant 2 : index
    %swap3A_92 = arith.constant 0 : index
    %swap3A_93 = arith.constant 0 : index
    %swap3A_94 = vector.load %arg4[%swap3A_91, %swap3A_92, %swap3A_93] : memref<8x32x4096xf32, #tpu.memory_space<vmem>>, vector<1x32x1024xf32>
    %swap3A_95 = vector.shape_cast %swap3A_94 : vector<1x32x1024xf32> to vector<32x1024xf32>
    %swap3A_96 = vector.shape_cast %slice3A_90 : vector<32x1024xf32> to vector<1x32x1024xf32>
    tpu.vector_store %arg4[%swap3A_91, %swap3A_92, %swap3A_93], %swap3A_96 {strides = array<i32>} : memref<8x32x4096xf32, #tpu.memory_space<vmem>>, vector<1x32x1024xf32>,
    %slice3A_97 = vector.extract_strided_slice %add3A_89 {offsets = [32, 0], sizes = [32, 1024], strides = [1, 1]} : vector<128x1024xf32> to vector<32x1024xf32>
    %swap3A_98 = arith.constant 2 : index
    %swap3A_99 = arith.constant 0 : index
    %swap3A_100 = arith.constant 1024 : index
    %swap3A_101 = vector.load %arg4[%swap3A_98, %swap3A_99, %swap3A_100] : memref<8x32x4096xf32, #tpu.memory_space<vmem>>, vector<1x32x1024xf32>
    %swap3A_102 = vector.shape_cast %swap3A_101 : vector<1x32x1024xf32> to vector<32x1024xf32>
    %swap3A_103 = vector.shape_cast %slice3A_97 : vector<32x1024xf32> to vector<1x32x1024xf32>
    tpu.vector_store %arg4[%swap3A_98, %swap3A_99, %swap3A_100], %swap3A_103 {strides = array<i32>} : memref<8x32x4096xf32, #tpu.memory_space<vmem>>, vector<1x32x1024xf32>,
    %slice3A_104 = vector.extract_strided_slice %add3A_89 {offsets = [64, 0], sizes = [32, 1024], strides = [1, 1]} : vector<128x1024xf32> to vector<32x1024xf32>
    %swap3A_105 = arith.constant 2 : index
    %swap3A_106 = arith.constant 0 : index
    %swap3A_107 = arith.constant 2048 : index
    %swap3A_108 = vector.load %arg4[%swap3A_105, %swap3A_106, %swap3A_107] : memref<8x32x4096xf32, #tpu.memory_space<vmem>>, vector<1x32x1024xf32>
    %swap3A_109 = vector.shape_cast %swap3A_108 : vector<1x32x1024xf32> to vector<32x1024xf32>
    %swap3A_110 = vector.shape_cast %slice3A_104 : vector<32x1024xf32> to vector<1x32x1024xf32>
    tpu.vector_store %arg4[%swap3A_105, %swap3A_106, %swap3A_107], %swap3A_110 {strides = array<i32>} : memref<8x32x4096xf32, #tpu.memory_space<vmem>>, vector<1x32x1024xf32>,
    %slice3A_111 = vector.extract_strided_slice %add3A_89 {offsets = [96, 0], sizes = [32, 1024], strides = [1, 1]} : vector<128x1024xf32> to vector<32x1024xf32>
    %swap3A_112 = arith.constant 2 : index
    %swap3A_113 = arith.constant 0 : index
    %swap3A_114 = arith.constant 3072 : index
    %swap3A_115 = vector.load %arg4[%swap3A_112, %swap3A_113, %swap3A_114] : memref<8x32x4096xf32, #tpu.memory_space<vmem>>, vector<1x32x1024xf32>
    %swap3A_116 = vector.shape_cast %swap3A_115 : vector<1x32x1024xf32> to vector<32x1024xf32>
    %swap3A_117 = vector.shape_cast %slice3A_111 : vector<32x1024xf32> to vector<1x32x1024xf32>
    tpu.vector_store %arg4[%swap3A_112, %swap3A_113, %swap3A_114], %swap3A_117 {strides = array<i32>} : memref<8x32x4096xf32, #tpu.memory_space<vmem>>, vector<1x32x1024xf32>,
    %get3A_118 = arith.constant 3072 : index
    %get3A_119 = arith.constant 0 : index
    %get3A_120 = vector.load %arg1[%get3A_118, %get3A_119] : memref<8192x128xf32, #tpu.memory_space<vmem>>, vector<1024x128xf32>
    %get3A_121 = arith.constant 0 : index
    %get3A_122 = arith.constant 0 : index
    %get3A_123 = vector.load %arg2[%get3A_121, %get3A_122] : memref<128x128xf32, #tpu.memory_space<vmem>>, vector<128x128xf32>
    %dot_general3A_124 = arith.constant dense<0.000000e+00> : vector<128x1024xf32>
    %dot_general3A_125 = tpu.matmul %get3A_123, %get3A_120, %dot_general3A_124 {dimension_numbers = #tpu.dot_dimension_numbers<[1], [1], [0], [0], [0, 0, 1, 0], [], []>, transpose_lhs_hint = false} : vector<128x128xf32>, vector<1024x128xf32>, vector<128x1024xf32> -> vector<128x1024xf32>
    %get3A_126 = arith.constant 0 : index
    %get3A_127 = arith.constant 0 : index
    %get3A_128 = vector.load %arg3[%get3A_126, %get3A_127] : memref<128x1xf32, #tpu.memory_space<vmem>>, vector<128x1xf32>
    %add3A_129 = vector.broadcast %get3A_128 : vector<128x1xf32> to vector<128x1024xf32>
    %add3A_130 = arith.addf %dot_general3A_125, %add3A_129 : vector<128x1024xf32>
    %slice3A_131 = vector.extract_strided_slice %add3A_130 {offsets = [0, 0], sizes = [32, 1024], strides = [1, 1]} : vector<128x1024xf32> to vector<32x1024xf32>
    %swap3A_132 = arith.constant 3 : index
    %swap3A_133 = arith.constant 0 : index
    %swap3A_134 = arith.constant 0 : index
    %swap3A_135 = vector.load %arg4[%swap3A_132, %swap3A_133, %swap3A_134] : memref<8x32x4096xf32, #tpu.memory_space<vmem>>, vector<1x32x1024xf32>
    %swap3A_136 = vector.shape_cast %swap3A_135 : vector<1x32x1024xf32> to vector<32x1024xf32>
    %swap3A_137 = vector.shape_cast %slice3A_131 : vector<32x1024xf32> to vector<1x32x1024xf32>
    tpu.vector_store %arg4[%swap3A_132, %swap3A_133, %swap3A_134], %swap3A_137 {strides = array<i32>} : memref<8x32x4096xf32, #tpu.memory_space<vmem>>, vector<1x32x1024xf32>,
    %slice3A_138 = vector.extract_strided_slice %add3A_130 {offsets = [32, 0], sizes = [32, 1024], strides = [1, 1]} : vector<128x1024xf32> to vector<32x1024xf32>
    %swap3A_139 = arith.constant 3 : index
    %swap3A_140 = arith.constant 0 : index
    %swap3A_141 = arith.constant 1024 : index
    %swap3A_142 = vector.load %arg4[%swap3A_139, %swap3A_140, %swap3A_141] : memref<8x32x4096xf32, #tpu.memory_space<vmem>>, vector<1x32x1024xf32>
    %swap3A_143 = vector.shape_cast %swap3A_142 : vector<1x32x1024xf32> to vector<32x1024xf32>
    %swap3A_144 = vector.shape_cast %slice3A_138 : vector<32x1024xf32> to vector<1x32x1024xf32>
    tpu.vector_store %arg4[%swap3A_139, %swap3A_140, %swap3A_141], %swap3A_144 {strides = array<i32>} : memref<8x32x4096xf32, #tpu.memory_space<vmem>>, vector<1x32x1024xf32>,
    %slice3A_145 = vector.extract_strided_slice %add3A_130 {offsets = [64, 0], sizes = [32, 1024], strides = [1, 1]} : vector<128x1024xf32> to vector<32x1024xf32>
    %swap3A_146 = arith.constant 3 : index
    %swap3A_147 = arith.constant 0 : index
    %swap3A_148 = arith.constant 2048 : index
    %swap3A_149 = vector.load %arg4[%swap3A_146, %swap3A_147, %swap3A_148] : memref<8x32x4096xf32, #tpu.memory_space<vmem>>, vector<1x32x1024xf32>
    %swap3A_150 = vector.shape_cast %swap3A_149 : vector<1x32x1024xf32> to vector<32x1024xf32>
    %swap3A_151 = vector.shape_cast %slice3A_145 : vector<32x1024xf32> to vector<1x32x1024xf32>
    tpu.vector_store %arg4[%swap3A_146, %swap3A_147, %swap3A_148], %swap3A_151 {strides = array<i32>} : memref<8x32x4096xf32, #tpu.memory_space<vmem>>, vector<1x32x1024xf32>,
    %slice3A_152 = vector.extract_strided_slice %add3A_130 {offsets = [96, 0], sizes = [32, 1024], strides = [1, 1]} : vector<128x1024xf32> to vector<32x1024xf32>
    %swap3A_153 = arith.constant 3 : index
    %swap3A_154 = arith.constant 0 : index
    %swap3A_155 = arith.constant 3072 : index
    %swap3A_156 = vector.load %arg4[%swap3A_153, %swap3A_154, %swap3A_155] : memref<8x32x4096xf32, #tpu.memory_space<vmem>>, vector<1x32x1024xf32>
    %swap3A_157 = vector.shape_cast %swap3A_156 : vector<1x32x1024xf32> to vector<32x1024xf32>
    %swap3A_158 = vector.shape_cast %slice3A_152 : vector<32x1024xf32> to vector<1x32x1024xf32>
    tpu.vector_store %arg4[%swap3A_153, %swap3A_154, %swap3A_155], %swap3A_158 {strides = array<i32>} : memref<8x32x4096xf32, #tpu.memory_space<vmem>>, vector<1x32x1024xf32>,
    %get3A_159 = arith.constant 4096 : index
    %get3A_160 = arith.constant 0 : index
    %get3A_161 = vector.load %arg1[%get3A_159, %get3A_160] : memref<8192x128xf32, #tpu.memory_space<vmem>>, vector<1024x128xf32>
    %get3A_162 = arith.constant 0 : index
    %get3A_163 = arith.constant 0 : index
    %get3A_164 = vector.load %arg2[%get3A_162, %get3A_163] : memref<128x128xf32, #tpu.memory_space<vmem>>, vector<128x128xf32>
    %dot_general3A_165 = arith.constant dense<0.000000e+00> : vector<128x1024xf32>
    %dot_general3A_166 = tpu.matmul %get3A_164, %get3A_161, %dot_general3A_165 {dimension_numbers = #tpu.dot_dimension_numbers<[1], [1], [0], [0], [0, 0, 1, 0], [], []>, transpose_lhs_hint = false} : vector<128x128xf32>, vector<1024x128xf32>, vector<128x1024xf32> -> vector<128x1024xf32>
    %get3A_167 = arith.constant 0 : index
    %get3A_168 = arith.constant 0 : index
    %get3A_169 = vector.load %arg3[%get3A_167, %get3A_168] : memref<128x1xf32, #tpu.memory_space<vmem>>, vector<128x1xf32>
    %add3A_170 = vector.broadcast %get3A_169 : vector<128x1xf32> to vector<128x1024xf32>
    %add3A_171 = arith.addf %dot_general3A_166, %add3A_170 : vector<128x1024xf32>
    %slice3A_172 = vector.extract_strided_slice %add3A_171 {offsets = [0, 0], sizes = [32, 1024], strides = [1, 1]} : vector<128x1024xf32> to vector<32x1024xf32>
    %swap3A_173 = arith.constant 4 : index
    %swap3A_174 = arith.constant 0 : index
    %swap3A_175 = arith.constant 0 : index
    %swap3A_176 = vector.load %arg4[%swap3A_173, %swap3A_174, %swap3A_175] : memref<8x32x4096xf32, #tpu.memory_space<vmem>>, vector<1x32x1024xf32>
    %swap3A_177 = vector.shape_cast %swap3A_176 : vector<1x32x1024xf32> to vector<32x1024xf32>
    %swap3A_178 = vector.shape_cast %slice3A_172 : vector<32x1024xf32> to vector<1x32x1024xf32>
    tpu.vector_store %arg4[%swap3A_173, %swap3A_174, %swap3A_175], %swap3A_178 {strides = array<i32>} : memref<8x32x4096xf32, #tpu.memory_space<vmem>>, vector<1x32x1024xf32>,
    %slice3A_179 = vector.extract_strided_slice %add3A_171 {offsets = [32, 0], sizes = [32, 1024], strides = [1, 1]} : vector<128x1024xf32> to vector<32x1024xf32>
    %swap3A_180 = arith.constant 4 : index
    %swap3A_181 = arith.constant 0 : index
    %swap3A_182 = arith.constant 1024 : index
    %swap3A_183 = vector.load %arg4[%swap3A_180, %swap3A_181, %swap3A_182] : memref<8x32x4096xf32, #tpu.memory_space<vmem>>, vector<1x32x1024xf32>
    %swap3A_184 = vector.shape_cast %swap3A_183 : vector<1x32x1024xf32> to vector<32x1024xf32>
    %swap3A_185 = vector.shape_cast %slice3A_179 : vector<32x1024xf32> to vector<1x32x1024xf32>
    tpu.vector_store %arg4[%swap3A_180, %swap3A_181, %swap3A_182], %swap3A_185 {strides = array<i32>} : memref<8x32x4096xf32, #tpu.memory_space<vmem>>, vector<1x32x1024xf32>,
    %slice3A_186 = vector.extract_strided_slice %add3A_171 {offsets = [64, 0], sizes = [32, 1024], strides = [1, 1]} : vector<128x1024xf32> to vector<32x1024xf32>
    %swap3A_187 = arith.constant 4 : index
    %swap3A_188 = arith.constant 0 : index
    %swap3A_189 = arith.constant 2048 : index
    %swap3A_190 = vector.load %arg4[%swap3A_187, %swap3A_188, %swap3A_189] : memref<8x32x4096xf32, #tpu.memory_space<vmem>>, vector<1x32x1024xf32>
    %swap3A_191 = vector.shape_cast %swap3A_190 : vector<1x32x1024xf32> to vector<32x1024xf32>
    %swap3A_192 = vector.shape_cast %slice3A_186 : vector<32x1024xf32> to vector<1x32x1024xf32>
    tpu.vector_store %arg4[%swap3A_187, %swap3A_188, %swap3A_189], %swap3A_192 {strides = array<i32>} : memref<8x32x4096xf32, #tpu.memory_space<vmem>>, vector<1x32x1024xf32>,
    %slice3A_193 = vector.extract_strided_slice %add3A_171 {offsets = [96, 0], sizes = [32, 1024], strides = [1, 1]} : vector<128x1024xf32> to vector<32x1024xf32>
    %swap3A_194 = arith.constant 4 : index
    %swap3A_195 = arith.constant 0 : index
    %swap3A_196 = arith.constant 3072 : index
    %swap3A_197 = vector.load %arg4[%swap3A_194, %swap3A_195, %swap3A_196] : memref<8x32x4096xf32, #tpu.memory_space<vmem>>, vector<1x32x1024xf32>
    %swap3A_198 = vector.shape_cast %swap3A_197 : vector<1x32x1024xf32> to vector<32x1024xf32>
    %swap3A_199 = vector.shape_cast %slice3A_193 : vector<32x1024xf32> to vector<1x32x1024xf32>
    tpu.vector_store %arg4[%swap3A_194, %swap3A_195, %swap3A_196], %swap3A_199 {strides = array<i32>} : memref<8x32x4096xf32, #tpu.memory_space<vmem>>, vector<1x32x1024xf32>,
    %get3A_200 = arith.constant 5120 : index
    %get3A_201 = arith.constant 0 : index
    %get3A_202 = vector.load %arg1[%get3A_200, %get3A_201] : memref<8192x128xf32, #tpu.memory_space<vmem>>, vector<1024x128xf32>
    %get3A_203 = arith.constant 0 : index
    %get3A_204 = arith.constant 0 : index
    %get3A_205 = vector.load %arg2[%get3A_203, %get3A_204] : memref<128x128xf32, #tpu.memory_space<vmem>>, vector<128x128xf32>
    %dot_general3A_206 = arith.constant dense<0.000000e+00> : vector<128x1024xf32>
    %dot_general3A_207 = tpu.matmul %get3A_205, %get3A_202, %dot_general3A_206 {dimension_numbers = #tpu.dot_dimension_numbers<[1], [1], [0], [0], [0, 0, 1, 0], [], []>, transpose_lhs_hint = false} : vector<128x128xf32>, vector<1024x128xf32>, vector<128x1024xf32> -> vector<128x1024xf32>
    %get3A_208 = arith.constant 0 : index
    %get3A_209 = arith.constant 0 : index
    %get3A_210 = vector.load %arg3[%get3A_208, %get3A_209] : memref<128x1xf32, #tpu.memory_space<vmem>>, vector<128x1xf32>
    %add3A_211 = vector.broadcast %get3A_210 : vector<128x1xf32> to vector<128x1024xf32>
    %add3A_212 = arith.addf %dot_general3A_207, %add3A_211 : vector<128x1024xf32>
    %slice3A_213 = vector.extract_strided_slice %add3A_212 {offsets = [0, 0], sizes = [32, 1024], strides = [1, 1]} : vector<128x1024xf32> to vector<32x1024xf32>
    %swap3A_214 = arith.constant 5 : index
    %swap3A_215 = arith.constant 0 : index
    %swap3A_216 = arith.constant 0 : index
    %swap3A_217 = vector.load %arg4[%swap3A_214, %swap3A_215, %swap3A_216] : memref<8x32x4096xf32, #tpu.memory_space<vmem>>, vector<1x32x1024xf32>
    %swap3A_218 = vector.shape_cast %swap3A_217 : vector<1x32x1024xf32> to vector<32x1024xf32>
    %swap3A_219 = vector.shape_cast %slice3A_213 : vector<32x1024xf32> to vector<1x32x1024xf32>
    tpu.vector_store %arg4[%swap3A_214, %swap3A_215, %swap3A_216], %swap3A_219 {strides = array<i32>} : memref<8x32x4096xf32, #tpu.memory_space<vmem>>, vector<1x32x1024xf32>,
    %slice3A_220 = vector.extract_strided_slice %add3A_212 {offsets = [32, 0], sizes = [32, 1024], strides = [1, 1]} : vector<128x1024xf32> to vector<32x1024xf32>
    %swap3A_221 = arith.constant 5 : index
    %swap3A_222 = arith.constant 0 : index
    %swap3A_223 = arith.constant 1024 : index
    %swap3A_224 = vector.load %arg4[%swap3A_221, %swap3A_222, %swap3A_223] : memref<8x32x4096xf32, #tpu.memory_space<vmem>>, vector<1x32x1024xf32>
    %swap3A_225 = vector.shape_cast %swap3A_224 : vector<1x32x1024xf32> to vector<32x1024xf32>
    %swap3A_226 = vector.shape_cast %slice3A_220 : vector<32x1024xf32> to vector<1x32x1024xf32>
    tpu.vector_store %arg4[%swap3A_221, %swap3A_222, %swap3A_223], %swap3A_226 {strides = array<i32>} : memref<8x32x4096xf32, #tpu.memory_space<vmem>>, vector<1x32x1024xf32>,
    %slice3A_227 = vector.extract_strided_slice %add3A_212 {offsets = [64, 0], sizes = [32, 1024], strides = [1, 1]} : vector<128x1024xf32> to vector<32x1024xf32>
    %swap3A_228 = arith.constant 5 : index
    %swap3A_229 = arith.constant 0 : index
    %swap3A_230 = arith.constant 2048 : index
    %swap3A_231 = vector.load %arg4[%swap3A_228, %swap3A_229, %swap3A_230] : memref<8x32x4096xf32, #tpu.memory_space<vmem>>, vector<1x32x1024xf32>
    %swap3A_232 = vector.shape_cast %swap3A_231 : vector<1x32x1024xf32> to vector<32x1024xf32>
    %swap3A_233 = vector.shape_cast %slice3A_227 : vector<32x1024xf32> to vector<1x32x1024xf32>
    tpu.vector_store %arg4[%swap3A_228, %swap3A_229, %swap3A_230], %swap3A_233 {strides = array<i32>} : memref<8x32x4096xf32, #tpu.memory_space<vmem>>, vector<1x32x1024xf32>,
    %slice3A_234 = vector.extract_strided_slice %add3A_212 {offsets = [96, 0], sizes = [32, 1024], strides = [1, 1]} : vector<128x1024xf32> to vector<32x1024xf32>
    %swap3A_235 = arith.constant 5 : index
    %swap3A_236 = arith.constant 0 : index
    %swap3A_237 = arith.constant 3072 : index
    %swap3A_238 = vector.load %arg4[%swap3A_235, %swap3A_236, %swap3A_237] : memref<8x32x4096xf32, #tpu.memory_space<vmem>>, vector<1x32x1024xf32>
    %swap3A_239 = vector.shape_cast %swap3A_238 : vector<1x32x1024xf32> to vector<32x1024xf32>
    %swap3A_240 = vector.shape_cast %slice3A_234 : vector<32x1024xf32> to vector<1x32x1024xf32>
    tpu.vector_store %arg4[%swap3A_235, %swap3A_236, %swap3A_237], %swap3A_240 {strides = array<i32>} : memref<8x32x4096xf32, #tpu.memory_space<vmem>>, vector<1x32x1024xf32>,
    %get3A_241 = arith.constant 6144 : index
    %get3A_242 = arith.constant 0 : index
    %get3A_243 = vector.load %arg1[%get3A_241, %get3A_242] : memref<8192x128xf32, #tpu.memory_space<vmem>>, vector<1024x128xf32>
    %get3A_244 = arith.constant 0 : index
    %get3A_245 = arith.constant 0 : index
    %get3A_246 = vector.load %arg2[%get3A_244, %get3A_245] : memref<128x128xf32, #tpu.memory_space<vmem>>, vector<128x128xf32>
    %dot_general3A_247 = arith.constant dense<0.000000e+00> : vector<128x1024xf32>
    %dot_general3A_248 = tpu.matmul %get3A_246, %get3A_243, %dot_general3A_247 {dimension_numbers = #tpu.dot_dimension_numbers<[1], [1], [0], [0], [0, 0, 1, 0], [], []>, transpose_lhs_hint = false} : vector<128x128xf32>, vector<1024x128xf32>, vector<128x1024xf32> -> vector<128x1024xf32>
    %get3A_249 = arith.constant 0 : index
    %get3A_250 = arith.constant 0 : index
    %get3A_251 = vector.load %arg3[%get3A_249, %get3A_250] : memref<128x1xf32, #tpu.memory_space<vmem>>, vector<128x1xf32>
    %add3A_252 = vector.broadcast %get3A_251 : vector<128x1xf32> to vector<128x1024xf32>
    %add3A_253 = arith.addf %dot_general3A_248, %add3A_252 : vector<128x1024xf32>
    %slice3A_254 = vector.extract_strided_slice %add3A_253 {offsets = [0, 0], sizes = [32, 1024], strides = [1, 1]} : vector<128x1024xf32> to vector<32x1024xf32>
    %swap3A_255 = arith.constant 6 : index
    %swap3A_256 = arith.constant 0 : index
    %swap3A_257 = arith.constant 0 : index
    %swap3A_258 = vector.load %arg4[%swap3A_255, %swap3A_256, %swap3A_257] : memref<8x32x4096xf32, #tpu.memory_space<vmem>>, vector<1x32x1024xf32>
    %swap3A_259 = vector.shape_cast %swap3A_258 : vector<1x32x1024xf32> to vector<32x1024xf32>
    %swap3A_260 = vector.shape_cast %slice3A_254 : vector<32x1024xf32> to vector<1x32x1024xf32>
    tpu.vector_store %arg4[%swap3A_255, %swap3A_256, %swap3A_257], %swap3A_260 {strides = array<i32>} : memref<8x32x4096xf32, #tpu.memory_space<vmem>>, vector<1x32x1024xf32>,
    %slice3A_261 = vector.extract_strided_slice %add3A_253 {offsets = [32, 0], sizes = [32, 1024], strides = [1, 1]} : vector<128x1024xf32> to vector<32x1024xf32>
    %swap3A_262 = arith.constant 6 : index
    %swap3A_263 = arith.constant 0 : index
    %swap3A_264 = arith.constant 1024 : index
    %swap3A_265 = vector.load %arg4[%swap3A_262, %swap3A_263, %swap3A_264] : memref<8x32x4096xf32, #tpu.memory_space<vmem>>, vector<1x32x1024xf32>
    %swap3A_266 = vector.shape_cast %swap3A_265 : vector<1x32x1024xf32> to vector<32x1024xf32>
    %swap3A_267 = vector.shape_cast %slice3A_261 : vector<32x1024xf32> to vector<1x32x1024xf32>
    tpu.vector_store %arg4[%swap3A_262, %swap3A_263, %swap3A_264], %swap3A_267 {strides = array<i32>} : memref<8x32x4096xf32, #tpu.memory_space<vmem>>, vector<1x32x1024xf32>,
    %slice3A_268 = vector.extract_strided_slice %add3A_253 {offsets = [64, 0], sizes = [32, 1024], strides = [1, 1]} : vector<128x1024xf32> to vector<32x1024xf32>
    %swap3A_269 = arith.constant 6 : index
    %swap3A_270 = arith.constant 0 : index
    %swap3A_271 = arith.constant 2048 : index
    %swap3A_272 = vector.load %arg4[%swap3A_269, %swap3A_270, %swap3A_271] : memref<8x32x4096xf32, #tpu.memory_space<vmem>>, vector<1x32x1024xf32>
    %swap3A_273 = vector.shape_cast %swap3A_272 : vector<1x32x1024xf32> to vector<32x1024xf32>
    %swap3A_274 = vector.shape_cast %slice3A_268 : vector<32x1024xf32> to vector<1x32x1024xf32>
    tpu.vector_store %arg4[%swap3A_269, %swap3A_270, %swap3A_271], %swap3A_274 {strides = array<i32>} : memref<8x32x4096xf32, #tpu.memory_space<vmem>>, vector<1x32x1024xf32>,
    %slice3A_275 = vector.extract_strided_slice %add3A_253 {offsets = [96, 0], sizes = [32, 1024], strides = [1, 1]} : vector<128x1024xf32> to vector<32x1024xf32>
    %swap3A_276 = arith.constant 6 : index
    %swap3A_277 = arith.constant 0 : index
    %swap3A_278 = arith.constant 3072 : index
    %swap3A_279 = vector.load %arg4[%swap3A_276, %swap3A_277, %swap3A_278] : memref<8x32x4096xf32, #tpu.memory_space<vmem>>, vector<1x32x1024xf32>
    %swap3A_280 = vector.shape_cast %swap3A_279 : vector<1x32x1024xf32> to vector<32x1024xf32>
    %swap3A_281 = vector.shape_cast %slice3A_275 : vector<32x1024xf32> to vector<1x32x1024xf32>
    tpu.vector_store %arg4[%swap3A_276, %swap3A_277, %swap3A_278], %swap3A_281 {strides = array<i32>} : memref<8x32x4096xf32, #tpu.memory_space<vmem>>, vector<1x32x1024xf32>,
    %get3A_282 = arith.constant 7168 : index
    %get3A_283 = arith.constant 0 : index
    %get3A_284 = vector.load %arg1[%get3A_282, %get3A_283] : memref<8192x128xf32, #tpu.memory_space<vmem>>, vector<1024x128xf32>
    %get3A_285 = arith.constant 0 : index
    %get3A_286 = arith.constant 0 : index
    %get3A_287 = vector.load %arg2[%get3A_285, %get3A_286] : memref<128x128xf32, #tpu.memory_space<vmem>>, vector<128x128xf32>
    %dot_general3A_288 = arith.constant dense<0.000000e+00> : vector<128x1024xf32>
    %dot_general3A_289 = tpu.matmul %get3A_287, %get3A_284, %dot_general3A_288 {dimension_numbers = #tpu.dot_dimension_numbers<[1], [1], [0], [0], [0, 0, 1, 0], [], []>, transpose_lhs_hint = false} : vector<128x128xf32>, vector<1024x128xf32>, vector<128x1024xf32> -> vector<128x1024xf32>
    %get3A_290 = arith.constant 0 : index
    %get3A_291 = arith.constant 0 : index
    %get3A_292 = vector.load %arg3[%get3A_290, %get3A_291] : memref<128x1xf32, #tpu.memory_space<vmem>>, vector<128x1xf32>
    %add3A_293 = vector.broadcast %get3A_292 : vector<128x1xf32> to vector<128x1024xf32>
    %add3A_294 = arith.addf %dot_general3A_289, %add3A_293 : vector<128x1024xf32>
    %slice3A_295 = vector.extract_strided_slice %add3A_294 {offsets = [0, 0], sizes = [32, 1024], strides = [1, 1]} : vector<128x1024xf32> to vector<32x1024xf32>
    %swap3A_296 = arith.constant 7 : index
    %swap3A_297 = arith.constant 0 : index
    %swap3A_298 = arith.constant 0 : index
    %swap3A_299 = vector.load %arg4[%swap3A_296, %swap3A_297, %swap3A_298] : memref<8x32x4096xf32, #tpu.memory_space<vmem>>, vector<1x32x1024xf32>
    %swap3A_300 = vector.shape_cast %swap3A_299 : vector<1x32x1024xf32> to vector<32x1024xf32>
    %swap3A_301 = vector.shape_cast %slice3A_295 : vector<32x1024xf32> to vector<1x32x1024xf32>
    tpu.vector_store %arg4[%swap3A_296, %swap3A_297, %swap3A_298], %swap3A_301 {strides = array<i32>} : memref<8x32x4096xf32, #tpu.memory_space<vmem>>, vector<1x32x1024xf32>,
    %slice3A_302 = vector.extract_strided_slice %add3A_294 {offsets = [32, 0], sizes = [32, 1024], strides = [1, 1]} : vector<128x1024xf32> to vector<32x1024xf32>
    %swap3A_303 = arith.constant 7 : index
    %swap3A_304 = arith.constant 0 : index
    %swap3A_305 = arith.constant 1024 : index
    %swap3A_306 = vector.load %arg4[%swap3A_303, %swap3A_304, %swap3A_305] : memref<8x32x4096xf32, #tpu.memory_space<vmem>>, vector<1x32x1024xf32>
    %swap3A_307 = vector.shape_cast %swap3A_306 : vector<1x32x1024xf32> to vector<32x1024xf32>
    %swap3A_308 = vector.shape_cast %slice3A_302 : vector<32x1024xf32> to vector<1x32x1024xf32>
    tpu.vector_store %arg4[%swap3A_303, %swap3A_304, %swap3A_305], %swap3A_308 {strides = array<i32>} : memref<8x32x4096xf32, #tpu.memory_space<vmem>>, vector<1x32x1024xf32>,
    %slice3A_309 = vector.extract_strided_slice %add3A_294 {offsets = [64, 0], sizes = [32, 1024], strides = [1, 1]} : vector<128x1024xf32> to vector<32x1024xf32>
    %swap3A_310 = arith.constant 7 : index
    %swap3A_311 = arith.constant 0 : index
    %swap3A_312 = arith.constant 2048 : index
    %swap3A_313 = vector.load %arg4[%swap3A_310, %swap3A_311, %swap3A_312] : memref<8x32x4096xf32, #tpu.memory_space<vmem>>, vector<1x32x1024xf32>
    %swap3A_314 = vector.shape_cast %swap3A_313 : vector<1x32x1024xf32> to vector<32x1024xf32>
    %swap3A_315 = vector.shape_cast %slice3A_309 : vector<32x1024xf32> to vector<1x32x1024xf32>
    tpu.vector_store %arg4[%swap3A_310, %swap3A_311, %swap3A_312], %swap3A_315 {strides = array<i32>} : memref<8x32x4096xf32, #tpu.memory_space<vmem>>, vector<1x32x1024xf32>,
    %slice3A_316 = vector.extract_strided_slice %add3A_294 {offsets = [96, 0], sizes = [32, 1024], strides = [1, 1]} : vector<128x1024xf32> to vector<32x1024xf32>
    %swap3A_317 = arith.constant 7 : index
    %swap3A_318 = arith.constant 0 : index
    %swap3A_319 = arith.constant 3072 : index
    %swap3A_320 = vector.load %arg4[%swap3A_317, %swap3A_318, %swap3A_319] : memref<8x32x4096xf32, #tpu.memory_space<vmem>>, vector<1x32x1024xf32>
    %swap3A_321 = vector.shape_cast %swap3A_320 : vector<1x32x1024xf32> to vector<32x1024xf32>
    %swap3A_322 = vector.shape_cast %slice3A_316 : vector<32x1024xf32> to vector<1x32x1024xf32>
    tpu.vector_store %arg4[%swap3A_317, %swap3A_318, %swap3A_319], %swap3A_322 {strides = array<i32>} : memref<8x32x4096xf32, #tpu.memory_space<vmem>>, vector<1x32x1024xf32>,
    return
  }
  func.func @transform_0(%arg0: i32) -> (i32, i32) {
    %c0_i32 = arith.constant 0 : i32
    %c0_i32_0 = arith.constant 0 : i32
    return %arg0, %c0_i32 : i32, i32
  }
  func.func @transform_1(%arg0: i32) -> (i32, i32) {
    %c0_i32 = arith.constant 0 : i32
    %c0_i32_0 = arith.constant 0 : i32
    %c0_i32_1 = arith.constant 0 : i32
    return %c0_i32, %c0_i32_0 : i32, i32
  }
  func.func @transform_2(%arg0: i32) -> (i32, i32) {
    %c0_i32 = arith.constant 0 : i32
    %c0_i32_0 = arith.constant 0 : i32
    %c0_i32_1 = arith.constant 0 : i32
    return %c0_i32, %c0_i32_0 : i32, i32
  }
  func.func @transform_3(%arg0: i32) -> (i32, i32, i32) {
    %c0_i32 = arith.constant 0 : i32
    %c0_i32_0 = arith.constant 0 : i32
    %c0_i32_1 = arith.constant 0 : i32
    return %arg0, %c0_i32, %c0_i32_0 : i32, i32, i32
  }
}

</mosaic_0001>

<sc_bundles>
// kernel: kernel.6.cloned.1.call-start
scs
__scs_entry_jumppad:
0x0: {  	(pc) =	sbr.rel $0x88, $3  }
0x1: {  	(tag) =	ssettag $0x0;
	lr =	simm.s32 $0x1  }
0x2: {  	[smem:$0x3F9D] =	sst lr;
	_ =	strace $0xD0000000  }
0x3: {  	_ = 	snop  }
0x4: {  	_ = 	snop  }
0x5: {  	_ = 	snop  }
0x6: {  	_ = 	snop  }
0x7: {  	_ = 	snop  }
__scs_overlays_trampoline_lowered:
0x8: {  	[smem:$0x3FAC] =	sst s0  }
0x9: {  	[smem:$0x3FAD] =	sst s1  }
0xa: {  	[smem:$0x3FAE] =	sst s2  }
0xb: {  	[smem:$0x3FAF] =	sst s3  }
0xc: {  	[smem:$0x3FB0] =	sst s4  }
0xd: {  	[smem:$0x3FB1] =	sst s5  }
0xe: {  	[smem:$0x3FB2] =	sst s6  }
0xf: {  	[smem:$0x3FB3] =	sst s7  }
0x10: {  	[smem:$0x3FB4] =	sst s8  }
0x11: {  	[smem:$0x3FB5] =	sst s9;
	s0 =	simm.s32 @!p0 $0x0  }
0x12: {  	s1 =	sld [smem:$0x3F9B];
	s0 =	simm.s32 @p0 $0x1  }
0x13: {  	[smem:$0x3FB6] =	sst s0;
	s0 =	simm.s32 @!p1 $0x0  }
0x14: {  	s2 =	sld [smem:$0x3F9A];
	s0 =	simm.s32 @p1 $0x1  }
0x15: {  	[smem:$0x3FB7] =	sst s0;
	s0 =	simm.s32 @!p2 $0x0  }
0x16: {  	s3 =	sld [smem:$0x3FDB];
	s0 =	simm.s32 @p2 $0x1  }
0x17: {  	s4 =	simm.s32 $0x1BF5;
	[smem:$0x3FB9] =	sst s0  }
0x18: {  	s0 =	sld [smem:$0x3F9C];
	_ =	swait.ge [sflag:s4], $0x0  }
0x19: {  	s7 =	sld [smem:$0x3F9D]  }
0x1a: {  	s8 =	sadd.s32 $0xFFFFE003, lr  }
0x1b: {  	s9 =	sadd.s32 $0xFFFFFEF7, lr;
	s5 =	simm.s32 $0xFFFFFFFF;
	p2 =	slt.u32 s8, $0xFFFFF086  }
0x1c: {  	p1 =	slt.u32 s9, $0xF7A;
	s5 =	simm.s32 @!p2 $0x0  }
0x1d: {  	s5 =	simm.s32 @p1 $0x1;
	p0 =	seq.s32 s7, s2  }
0x1e: {  	s7 =	smul.u32 @!p0 $0xF7A, s2;
	p2 =	seq.s32 @!p0 s5, $0x0  }
0x1f: {  	s9 =	smul.u32 $0xF7A, s1;
	s8 =	simm.s32 @!p0 $0x1BF5;
	p2 =	por !p2, p0  }
0x20: {  	[sflag:s8] =	ssyncset.s32 @!p0 $0xFFFFF086;
	s6 =	sadd.s32 @!p0 s3, s7;
	s7 =	simm.s32 @!p0 $0x108  }
0x21: {  	s3 =	sadd.s32 s3, s9;
	s6 =	sadd.s32 @!p0 $0x88, s6;
	s7 =	simm.s32 @p2 $0x1082  }
0x22: {  	[simem:s7], [sflag:s8] =	dma.local @!p0 [hbm:s6], $0xF7A  }
0x23: {  	s9 =	sor.u32 $0xD0000000, s2;
	s6 =	simm.s32 $0x108;
	_ =	swait.ge @!p0 [sflag:s8], $0x0  }
0x24: {  	s3 =	sadd.s32 $0x88, s3;
	s6 =	simm.s32 @!p1 $0x1082;
	[sflag:s4] =	ssyncset.s32 $0xFFFFF086  }
0x25: {  	[simem:s6], [sflag:s4] =	dma.local [hbm:s3], $0xF7A  }
0x26: {  	[smem:$0x3F9D] =	sst s1;
	(tag) =	ssettag s2;
	_ =	strace s9  }
0x27: {  	s1 =	sld [smem:$0x3FAD]  }
0x28: {  	s2 =	sld [smem:$0x3FAE]  }
0x29: {  	s4 =	sld [smem:$0x3FB0]  }
0x2a: {  	p0 =	seq.s32 s5, $0x0;
	s5 =	sld [smem:$0x3FB1]  }
0x2b: {  	s6 =	sld [smem:$0x3FB2]  }
0x2c: {  	s7 =	sld [smem:$0x3FB3]  }
0x2d: {  	s3 =	simm.s32 $0x108;
	s8 =	sld [smem:$0x3FB4]  }
0x2e: {  	s3 =	simm.s32 @!p0 $0x1082;
	s9 =	sld [smem:$0x3FB5]  }
0x2f: {  	lr =	sadd.s32 s0, s3;
	s0 =	sld [smem:$0x3FAC]  }
0x30: {  	s3 =	sld [smem:$0x3FAF]  }
0x31: {  	[smem:$0x3FB8] =	sst s10  }
0x32: {  	s10 =	sld [smem:$0x3FB6];
	_ =	sdelay $0x3  }
0x33: {  	p0 =	seq.s32 s10, $0x1;
	s10 =	sld [smem:$0x3FB8];
	_ =	sdelay $0x3  }
0x34: {  	[smem:$0x3FB8] =	sst s10  }
0x35: {  	s10 =	sld [smem:$0x3FB7];
	_ =	sdelay $0x3  }
0x36: {  	p1 =	seq.s32 s10, $0x1;
	s10 =	sld [smem:$0x3FB8];
	_ =	sdelay $0x3  }
0x37: {  	[smem:$0x3FB8] =	sst s10  }
0x38: {  	s10 =	sld [smem:$0x3FB9]  }
0x39: {  	_ = 	snop;
	(pc) =	sbr.ind lr, $3  }
0x3a: {  	_ = 	snop  }
0x3b: {  	_ = 	snop  }
0x3c: {  	p2 =	seq.s32 s10, $0x1;
	s10 =	sld [smem:$0x3FB8]  }
0x3d: {  	_ =	shalt  }
0x3e: {  	_ =	shalt  }
0x3f: {  	_ =	shalt  }
0x40: {  	_ =	shalt  }
0x41: {  	_ =	shalt  }
0x42: {  	_ =	shalt  }
0x43: {  	_ =	shalt  }
0x44: {  	_ =	shalt  }
0x45: {  	_ =	shalt  }
0x46: {  	_ =	shalt  }
0x47: {  	_ =	shalt  }
0x48: {  	_ =	shalt  }
0x49: {  	_ =	shalt  }
0x4a: {  	_ =	shalt  }
0x4b: {  	_ =	shalt  }
0x4c: {  	_ =	shalt  }
0x4d: {  	_ =	shalt  }
0x4e: {  	_ =	shalt  }
0x4f: {  	_ =	shalt  }
0x50: {  	_ =	shalt  }
0x51: {  	_ =	shalt  }
0x52: {  	_ =	shalt  }
0x53: {  	_ =	shalt  }
0x54: {  	_ =	shalt  }
0x55: {  	_ =	shalt  }
0x56: {  	_ =	shalt  }
0x57: {  	_ =	shalt  }
0x58: {  	_ =	shalt  }
0x59: {  	_ =	shalt  }
0x5a: {  	_ =	shalt  }
0x5b: {  	_ =	shalt  }
0x5c: {  	_ =	shalt  }
0x5d: {  	_ =	shalt  }
0x5e: {  	_ =	shalt  }
0x5f: {  	_ =	shalt  }
0x60: {  	_ =	shalt  }
0x61: {  	_ =	shalt  }
0x62: {  	_ =	shalt  }
0x63: {  	_ =	shalt  }
0x64: {  	_ =	shalt  }
0x65: {  	_ =	shalt  }
0x66: {  	_ =	shalt  }
0x67: {  	_ =	shalt  }
0x68: {  	_ =	shalt  }
0x69: {  	_ =	shalt  }
0x6a: {  	_ =	shalt  }
0x6b: {  	_ =	shalt  }
0x6c: {  	_ =	shalt  }
0x6d: {  	_ =	shalt  }
0x6e: {  	_ =	shalt  }
0x6f: {  	_ =	shalt  }
0x70: {  	_ =	shalt  }
0x71: {  	_ =	shalt  }
0x72: {  	_ =	shalt  }
0x73: {  	_ =	shalt  }
0x74: {  	_ =	shalt  }
0x75: {  	_ =	shalt  }
0x76: {  	_ =	shalt  }
0x77: {  	_ =	shalt  }
0x78: {  	_ =	shalt  }
0x79: {  	_ =	shalt  }
0x7a: {  	_ =	shalt  }
0x7b: {  	_ =	shalt  }
0x7c: {  	_ =	shalt  }
0x7d: {  	_ =	shalt  }
0x7e: {  	_ =	shalt  }
0x7f: {  	_ =	shalt  }
0x80: {  	_ =	shalt  }
0x81: {  	_ =	shalt  }
0x82: {  	_ =	shalt  }
0x83: {  	_ =	shalt  }
0x84: {  	_ =	shalt  }
0x85: {  	_ =	shalt  }
0x86: {  	_ =	shalt  }
0x87: {  	_ =	shalt  }
.Lfunc_end0:
.L_simem_size_0:
called_computation_lowered:
.L_overlay_start_0:
0x88: {  	s2 =	sld [smem:$0x3FD9]  }
0x89: {  	s3 =	sld [smem:$0x3FFE];
	_ =	sdelay $0x1  }
0x8a: {  	s1 =	srdreg.scid  }
0x8b: {  	s0 =	sand.u32 $0x1, s1  }
0x8c: {  	s17 =	sshll.u32 s0, $0xA;
	s2 =	sadd.s32 s3, s2  }
0x8d: {  	s2 =	sadd.s32 s2, s17  }
0x8e: {  	[smem:$0x3FC4] =	sst s2  }
0x8f: {  	_ = 	snop  }
0x90: {  	s2 =	sld [smem:$0x3FD0];
	(tm) =	ssettm $0x1  }
0x91: {  	s18 =	sld [smem:$0x3FFB];
	_ =	sdelay $0x3  }
0x92: {  	_ =	strace s18  }
0x93: {  	s3 =	sld [smem:$0x3FFC];
	_ =	sdelay $0x3  }
0x94: {  	_ =	strace s3  }
0x95: {  	s3 =	sld [smem:$0x3FFD];
	_ =	sdelay $0x3  }
0x96: {  	_ =	strace s3  }
0x97: {  	_ =	strace $0x8FFFFFFF  }
0x98: {  	s19 =	sld [smem:$0x3FDB];
	_ =	sdelay $0x1  }
0x99: {  	s4 =	simm.s32 $_scs_section_size  }
0x9a: {  	s5 =	simm.s32 $_size__tile_overlayer_lowered;
	s6 =	simm.s32 $_tile_overlayer_lowered  }
0x9b: {  	s22 =	simm.s32 $0x1BFF;
	s21 =	sshll.u32 s6, $0x1;
	s3 =	sadd.s32 s4, s19  }
0x9c: {  	s7 =	simm.s32 $0x0;
	s20 =	sshll.u32 s5, $0x1;
	s5 =	sadd.s32 s21, s3  }
0x9d: {  	[timem:s7], [sflag:s22] =	dma.local [hbm:s5], s20  }
0x9e: {  	_ =	swait.ge [sflag:s22], s20  }
0x9f: {  	s4 =	ssub.s32 $0x0, s20;
	[sflag:s22] =	ssyncset.done $0x0  }
0xa0: {  	[sflag:s22] =	ssyncadd.s32 s4;
	_ =	sdelay $0x1  }
0xa1: {  	s23 =	simm.s32 $0x1B8B  }
0xa2: {  	_ =	swait.ge [sflag:s23], $0x1  }
0xa3: {  	[sflag:s23] =	ssyncset.done $0x0  }
0xa4: {  	s25 =	simm.s32 $0x1B8E;
	s24 =	sld [smem:$0x3FFE];
	[sflag:s23] =	ssyncadd.s32 $0xFFFFFFFF  }
0xa5: {  	s26 =	simm.s32 $execute0_lowered;
	[smem:$0x3FD2] =	sst s25  }
0xa6: {  	s5 =	sshll.u32 s26, $0x1;
	_ =	strace $0x80000046;
	[dreg:$0x1] =	wrdreg $0xFFFFFFFF  }
0xa7: {  	s28 =	simm.s32 $_size_execute0_lowered;
	s3 =	sadd.s32 s3, s5;
	[dreg:$0x0] =	wrdreg $0x0  }
0xa8: {  	s5 =	sshll.u32 s28, $0x1;
	[dreg:$0x2] =	wrdreg s3  }
0xa9: {  	[dreg:$0x3] =	wrdreg s5  }
0xaa: {  	[dreg:$0x4] =	wrdreg $0xC0  }
0xab: {  	_ =	task [dreg:s7], $0x5FFFF  }
0xac: {  	[dreg:$0x1] =	wrdreg $0xFFFFFFFF  }
0xad: {  	[dreg:$0x0] =	wrdreg $0x60  }
0xae: {  	[dreg:$0x2] =	wrdreg s2  }
0xaf: {  	[dreg:$0x3] =	wrdreg s24  }
0xb0: {  	[dreg:$0x4] =	wrdreg $0x9  }
0xb1: {  	_ =	task.clear_ibuf [dreg:s7], $0x5FFFF;
	_ =	strace $0x90000046  }
0xb2: {  	s29 =	simm.s32 $0x9;
	_ =	strace $0x80000048  }
0xb3: {  	_ =	swait.ge [sflag:s29], $0x1  }
0xb4: {  	[sflag:s29] =	ssyncadd.s32 $0xFFFFFFFF  }
0xb5: {  	_ =	strace $0x90000048  }
0xb6: {  	_ =	sfence  }
0xb7: {  	s30 =	sld [smem:$0x0];
	_ =	sdelay $0x2  }
0xb8: {  	s31 =	sshll.u32 s1, $0xD;
	s1 =	sshrl.u32 s1, $0x2  }
0xb9: {  	s3 =	sand.u32 $0x4000, s31;
	s1 =	sadd.s32 s1, s30  }
0xba: {  	s0 =	sor.u32 s3, s0;
	s1 =	sshll.u32 s1, $0x11  }
0xbb: {  	s0 =	sor.u32 s1, s0  }
0xbc: {  	s0 =	sadd.s32 $0x8F2B, s0  }
0xbd: {  	[sflag:s0] =	ssyncadd.remote.s32 $0x1  }
0xbe: {  	_ =	sfence.sel $0xFFFF  }
0xbf: {  	[dreg:$0x0] =	wrdreg $0xFFFFFFFF;
	(pc) =	sbr.abs _section_cstart, $3  }
0xc0: {  	[dreg:$0x1] =	wrdreg $0xFFFFFFFF  }
0xc1: {  	_ =	task.clear_ibuf [dreg:s7], $0x2FFFF;
	_ =	strace $0x9FFFFFFF  }
0xc2: {  	(tm) =	ssettm $0x7FFFFFFF  }
0xc3: {  	_ =	shalt  }
tec
execute0_lowered:
.L_overlay_start_1:
0x0: {  	(tag) =	ssettag $0x1  }
0x1: {  	v0 =	vimm.s32 $0x303;
	vm0 =	vcmask $0x300  }
0x2: {  	vm14 =	vcmask $0x704;
	v0 =	vsel vm0, $0x0, v0  }
0x3: {  	vm15 =	vcmask $0xB08;
	v0 =	vsel vm14, $0x100, v0  }
0x4: {  	vm4 =	vcmask $0xF0C;
	v0 =	vsel vm15, $0x200, v0  }
0x5: {  	vm5 =	vcmask $0x1310;
	v0 =	vsel vm4, $0x300, v0  }
0x6: {  	vm6 =	vcmask $0x1714;
	s1 =	rddreg [dreg:$0x0];
	v0 =	vsel vm5, $0x1, v0  }
0x7: {  	vm7 =	vcmask $0x1B18;
	s4 =	rddreg [dreg:$0x1];
	v0 =	vsel vm6, $0x101, v0  }
0x8: {  	vm8 =	vcmask $0x1F1C;
	s0 =	rddreg [dreg:$0x2];
	v0 =	vsel vm7, $0x201, v0  }
0x9: {  	s2 =	simm.s32 $0x0;
	s5 =	srdreg.scid;
	vm9 =	vcmask $0x2320;
	s3 =	stileid.u32;
	v0 =	vsel vm8, $0x301, v0  }
0xa: {  	vm10 =	vcmask $0x2724;
	s10 =	simm.s32 $0x1;
	s11 =	simm.s32 $0x100;
	s12 =	simm.s32 $0x200;
	v0 =	vsel vm9, $0x2, v0  }
0xb: {  	vm11 =	vcmask $0x2B28;
	s13 =	simm.s32 $0x300;
	s14 =	simm.s32 $0x400;
	s15 =	simm.s32 $0x0;
	v0 =	vsel vm10, $0x102, v0  }
0xc: {  	vm12 =	vcmask $0x2F2C;
	s20 =	simm.s32 $0x0;
	[smem:$0x7FF] =	sst s2;
	s5 =	sand.u32 $0x1, s5;
	v0 =	vsel vm11, $0x202, v0  }
0xd: {  	vm13 =	vcmask $0x3330;
	s7 =	sshll.u32 s3, $0x1;
	s4 =	sadd.s32 $0xC00, s4;
	s6 =	ssub.s32 $0x2, s5;
	v0 =	vsel vm12, $0x302, v0  }
0xe: {  	_ =	strace $0x80000047;
	s5 =	sor.u32 s5, s7;
	vm14 =	vcmask $0x3734;
	s8 =	sshrl.u32 s6, $0x1;
	v0 =	vsel vm13, $0x3, v0  }
0xf: {  	s7 =	sadd.s32 $0x100, s1;
	s5 =	smul.u32 $0x6400, s5;
	vm15 =	vcmask $0x3B38;
	s9 =	ssub.s32 s6, s8;
	v0 =	vsel vm14, $0x103, v0  }
0x10: {  	s6 =	sadd.s32 $0x80, s1;
	s8 =	sadd.s32 $0x180, s1;
	s9 =	smax.u32 s9, $0x1;
	v0 =	vsel vm15, $0x203, v0  }
.LBB2_1:
0x11: {  	s16 =	simm.s32 $0x0  }
.LBB2_2:
0x12: {  	s17 =	sshll.u32 s16, $0xA  }
0x13: {  	s17 =	sadd.s32 s5, s17  }
0x14: {  	s18 =	sshrl.u32 s17, $0x2  }
0x15: {  	s19 =	sand.u32 $0x1FF000, s17;
	s18 =	sand.u32 $0x300, s18  }
0x16: {  	s18 =	sor.u32 s19, s18  }
0x17: {  	s18 =	sshrl.u32 s18, $0x3  }
0x18: {  	s26 =	sadd.s32 s1, s18  }
0x19: {  	[tilespmem:s20], [sflag:$0x1] =	stream.linear.gather [hbm4b:s26+s20], $0x100, $0x38;
	[tilespmem:$0x800] =	vst v63  }
0x1a: {  	_ =	swait.ge [sflag:s10], $0x100  }
0x1b: {  	[sflag:s10] =	ssyncset.done $0x0  }
0x1c: {  	s28 =	sadd.s32 s18, s6;
	[sflag:s10] =	ssyncadd.s32 $0xFFFFFF00  }
0x1d: {  	[tilespmem:s11], [sflag:$0x1] =	stream.linear.gather [hbm4b:s28+s20], $0x100, $0x38;
	[tilespmem:$0x800] =	vst v63  }
0x1e: {  	_ =	swait.ge [sflag:s10], $0x100  }
0x1f: {  	[sflag:s10] =	ssyncset.done $0x0  }
0x20: {  	s29 =	sadd.s32 s18, s7;
	[sflag:s10] =	ssyncadd.s32 $0xFFFFFF00  }
0x21: {  	[tilespmem:s12], [sflag:$0x1] =	stream.linear.gather [hbm4b:s29+s20], $0x100, $0x38;
	[tilespmem:$0x800] =	vst v63  }
0x22: {  	_ =	swait.ge [sflag:s10], $0x100  }
0x23: {  	[sflag:s10] =	ssyncset.done $0x0  }
0x24: {  	v1 =	vor.u32 s20, v0;
	s18 =	sadd.s32 s18, s8;
	[sflag:s10] =	ssyncadd.s32 $0xFFFFFF00  }
0x25: {  	[tilespmem:s13], [sflag:$0x1] =	stream.linear.gather [hbm4b:s18+s20], $0x100, $0x38;
	[tilespmem:$0x800] =	vst v63  }
0x26: {  	_ =	swait.ge [sflag:s10], $0x100  }
0x27: {  	[sflag:s10] =	ssyncset.done $0x0  }
0x28: {  	[sflag:s10] =	ssyncadd.s32 $0xFFFFFF00  }
0x29: {  	v1 =	vld.idx.msk [tilespmem:v1+s2+$0x0], $0xffff;
	_ =	sdelay $0x2  }
0x2a: {  	s30 =	simm.s32 $0x4  }
0x2b: {  	v2 =	vor.u32 s30, v0  }
0x2c: {  	v3 =	vshll.u32 v1, $0x2  }
0x2d: {  	v1 =	vshra.s32 v1, $0x12;
	v3 =	vand.u32 $0xFFFFC, v3  }
0x2e: {  	s18 =	simm.s32 $0x400;
	v1 =	vadd.s32 v1, v3  }
0x2f: {  	[tilespmem:s18+$0x0] =	vst v1  }
0x30: {  	v2 =	vld.idx.msk [tilespmem:v2+s2+$0x0], $0xffff;
	_ =	sdelay $0x2  }
0x31: {  	s31 =	simm.s32 $0x8  }
0x32: {  	s19 =	simm.s32 $0xC;
	v1 =	vor.u32 s31, v0  }
.LBB2_3:
0x33: {  	p0 =	sne.s32 s19, $0xFC;
	v3 =	vshll.u32 v2, $0x2  }
0x34: {  	v2 =	vshra.s32 v2, $0x12;
	v3 =	vand.u32 $0xFFFFC, v3  }
0x35: {  	s18 =	sadd.s32 $0x10, s18;
	v2 =	vadd.s32 v2, v3  }
0x36: {  	[tilespmem:s18+$0x0] =	vst v2  }
0x37: {  	v2 =	vld.idx.msk [tilespmem:v1+s2+$0x0], $0xffff  }
.Ltmp0:
0x38: {  	(pc) =	sbr.rel @p0 .LBB2_3-.Ltmp0, $2  }
0x39: {  	_ =	sdelay $0x2  }
0x3a: {  	v1 =	vor.u32 s19, v0;
	s19 =	sadd.s32 $0x4, s19  }
0x3b: {  	v3 =	vshll.u32 v2, $0x2  }
0x3c: {  	v2 =	vshra.s32 v2, $0x12;
	v3 =	vand.u32 $0xFFFFC, v3  }
0x3d: {  	s18 =	sadd.s32 $0x10, s18;
	v2 =	vadd.s32 v2, v3  }
0x3e: {  	[tilespmem:s18+$0x0] =	vst v2  }
0x3f: {  	v1 =	vld.idx.msk [tilespmem:v1+s2+$0x0], $0xffff;
	_ =	sdelay $0x4  }
0x40: {  	v2 =	vshll.u32 v1, $0x2  }
0x41: {  	s16 =	sadd.s32 $0x1, s16;
	v1 =	vshra.s32 v1, $0x12;
	v2 =	vand.u32 $0xFFFFC, v2  }
0x42: {  	s17 =	sshrl.u32 s17, $0x3;
	p0 =	sne.s32 s16, $0x19;
	s18 =	sadd.s32 $0x10, s18;
	v1 =	vadd.s32 v1, v2  }
.Ltmp1:
0x43: {  	s17 =	sadd.s32 s4, s17;
	[tilespmem:s18+$0x0] =	vst v1;
	(pc) =	sbr.rel @p0 .LBB2_2-.Ltmp1, $4  }
0x44: {  	[hbm4b:s17+s2] =	stream.linear.scatter [tilespmem:s14], [sflag:$0x1], $0x400, $0x38;
	[tilespmem:$0x800] =	vst v63  }
0x45: {  	_ =	swait.ge [sflag:s10], $0x400  }
0x46: {  	[sflag:s10] =	ssyncset.done $0x0  }
0x47: {  	[sflag:s10] =	ssyncadd.s32 $0xFFFFFC00  }
0x48: {  	s15 =	sadd.s32 $0x1, s15  }
0x49: {  	p0 =	sne.s32 s15, s9  }
.Ltmp2:
0x4a: {  	_ = 	snop;
	(pc) =	sbr.rel @p0 .LBB2_1-.Ltmp2, $1  }
0x4b: {  	_ =	sdelay $0x3  }
0x4c: {  	_ =	sfence.sel $0x180000  }
0x4d: {  	[bflag:$0x0] =	sbarrier.arrive $0xFFFF  }
0x4e: {  	p0 =	sne.s32 s3, $0x0;
	_ =	strace $0x90000047  }
0x4f: {  	s0 =	sadd.s32 @!p0 $0x100000, s0;
	[bflag:$0x2] =	sbarrier.arrive $0xFFFF  }
0x50: {  	[sflag:s0] =	ssyncadd.tile.s32 @!p0 $0x1;
	_ =	shalt  }
.Lfunc_end2:
_tile_overlayer_lowered:
.L_overlay_start_2:
0x51: {  	(tag) =	ssettag $0x2  }
0x52: {  	s0 =	rddreg [dreg:$0x0];
	s2 =	stileid.u32  }
0x53: {  	s1 =	rddreg [dreg:$0x1];
	p0 =	sne.s32 s2, $0x0  }
0x54: {  	s3 =	rddreg [dreg:$0x2];
	[bflag:$0x3] =	sbarrier.arrive $0xFFFF;
	s2 =	simm.s32 @!p0 $0x1C01  }
0x55: {  	[timem:s3], [sflag:s2] =	dma.local @!p0 [hbm:s0], s1  }
0x56: {  	s0 =	simm.s32 @!p0 $0x1  }
0x57: {  	_ =	swait.ge @!p0 [sflag:s0], s1  }
0x58: {  	s1 =	ssub.s32 @!p0 $0x0, s1;
	[sflag:s0] =	ssyncset.done @!p0 $0x0  }
0x59: {  	[sflag:s0] =	ssyncadd.s32 @!p0 s1  }
0x5a: {  	[bflag:$0x3] =	sbarrier.arrive $0xFFFF  }
0x5b: {  	_ =	shalt  }

// kernel: kernel.9.cloned.1.call-start
scs
__scs_entry_jumppad:
0x0: {  	(pc) =	sbr.rel $0x88, $3  }
0x1: {  	(tag) =	ssettag $0x0;
	lr =	simm.s32 $0x1  }
0x2: {  	[smem:$0x3F9D] =	sst lr;
	_ =	strace $0xD0000000  }
0x3: {  	_ = 	snop  }
0x4: {  	_ = 	snop  }
0x5: {  	_ = 	snop  }
0x6: {  	_ = 	snop  }
0x7: {  	_ = 	snop  }
__scs_overlays_trampoline_lowered:
0x8: {  	[smem:$0x3FAC] =	sst s0  }
0x9: {  	[smem:$0x3FAD] =	sst s1  }
0xa: {  	[smem:$0x3FAE] =	sst s2  }
0xb: {  	[smem:$0x3FAF] =	sst s3  }
0xc: {  	[smem:$0x3FB0] =	sst s4  }
0xd: {  	[smem:$0x3FB1] =	sst s5  }
0xe: {  	[smem:$0x3FB2] =	sst s6  }
0xf: {  	[smem:$0x3FB3] =	sst s7  }
0x10: {  	[smem:$0x3FB4] =	sst s8  }
0x11: {  	[smem:$0x3FB5] =	sst s9;
	s0 =	simm.s32 @!p0 $0x0  }
0x12: {  	s1 =	sld [smem:$0x3F9B];
	s0 =	simm.s32 @p0 $0x1  }
0x13: {  	[smem:$0x3FB6] =	sst s0;
	s0 =	simm.s32 @!p1 $0x0  }
0x14: {  	s2 =	sld [smem:$0x3F9A];
	s0 =	simm.s32 @p1 $0x1  }
0x15: {  	[smem:$0x3FB7] =	sst s0;
	s0 =	simm.s32 @!p2 $0x0  }
0x16: {  	s3 =	sld [smem:$0x3FDB];
	s0 =	simm.s32 @p2 $0x1  }
0x17: {  	s4 =	simm.s32 $0x1BF5;
	[smem:$0x3FB9] =	sst s0  }
0x18: {  	s0 =	sld [smem:$0x3F9C];
	_ =	swait.ge [sflag:s4], $0x0  }
0x19: {  	s7 =	sld [smem:$0x3F9D]  }
0x1a: {  	s8 =	sadd.s32 $0xFFFFE003, lr  }
0x1b: {  	s9 =	sadd.s32 $0xFFFFFEF7, lr;
	s5 =	simm.s32 $0xFFFFFFFF;
	p2 =	slt.u32 s8, $0xFFFFF086  }
0x1c: {  	p1 =	slt.u32 s9, $0xF7A;
	s5 =	simm.s32 @!p2 $0x0  }
0x1d: {  	s5 =	simm.s32 @p1 $0x1;
	p0 =	seq.s32 s7, s2  }
0x1e: {  	s7 =	smul.u32 @!p0 $0xF7A, s2;
	p2 =	seq.s32 @!p0 s5, $0x0  }
0x1f: {  	s9 =	smul.u32 $0xF7A, s1;
	s8 =	simm.s32 @!p0 $0x1BF5;
	p2 =	por !p2, p0  }
0x20: {  	[sflag:s8] =	ssyncset.s32 @!p0 $0xFFFFF086;
	s6 =	sadd.s32 @!p0 s3, s7;
	s7 =	simm.s32 @!p0 $0x108  }
0x21: {  	s3 =	sadd.s32 s3, s9;
	s6 =	sadd.s32 @!p0 $0x88, s6;
	s7 =	simm.s32 @p2 $0x1082  }
0x22: {  	[simem:s7], [sflag:s8] =	dma.local @!p0 [hbm:s6], $0xF7A  }
0x23: {  	s9 =	sor.u32 $0xD0000000, s2;
	s6 =	simm.s32 $0x108;
	_ =	swait.ge @!p0 [sflag:s8], $0x0  }
0x24: {  	s3 =	sadd.s32 $0x88, s3;
	s6 =	simm.s32 @!p1 $0x1082;
	[sflag:s4] =	ssyncset.s32 $0xFFFFF086  }
0x25: {  	[simem:s6], [sflag:s4] =	dma.local [hbm:s3], $0xF7A  }
0x26: {  	[smem:$0x3F9D] =	sst s1;
	(tag) =	ssettag s2;
	_ =	strace s9  }
0x27: {  	s1 =	sld [smem:$0x3FAD]  }
0x28: {  	s2 =	sld [smem:$0x3FAE]  }
0x29: {  	s4 =	sld [smem:$0x3FB0]  }
0x2a: {  	p0 =	seq.s32 s5, $0x0;
	s5 =	sld [smem:$0x3FB1]  }
0x2b: {  	s6 =	sld [smem:$0x3FB2]  }
0x2c: {  	s7 =	sld [smem:$0x3FB3]  }
0x2d: {  	s3 =	simm.s32 $0x108;
	s8 =	sld [smem:$0x3FB4]  }
0x2e: {  	s3 =	simm.s32 @!p0 $0x1082;
	s9 =	sld [smem:$0x3FB5]  }
0x2f: {  	lr =	sadd.s32 s0, s3;
	s0 =	sld [smem:$0x3FAC]  }
0x30: {  	s3 =	sld [smem:$0x3FAF]  }
0x31: {  	[smem:$0x3FB8] =	sst s10  }
0x32: {  	s10 =	sld [smem:$0x3FB6];
	_ =	sdelay $0x3  }
0x33: {  	p0 =	seq.s32 s10, $0x1;
	s10 =	sld [smem:$0x3FB8];
	_ =	sdelay $0x3  }
0x34: {  	[smem:$0x3FB8] =	sst s10  }
0x35: {  	s10 =	sld [smem:$0x3FB7];
	_ =	sdelay $0x3  }
0x36: {  	p1 =	seq.s32 s10, $0x1;
	s10 =	sld [smem:$0x3FB8];
	_ =	sdelay $0x3  }
0x37: {  	[smem:$0x3FB8] =	sst s10  }
0x38: {  	s10 =	sld [smem:$0x3FB9]  }
0x39: {  	_ = 	snop;
	(pc) =	sbr.ind lr, $3  }
0x3a: {  	_ = 	snop  }
0x3b: {  	_ = 	snop  }
0x3c: {  	p2 =	seq.s32 s10, $0x1;
	s10 =	sld [smem:$0x3FB8]  }
0x3d: {  	_ =	shalt  }
0x3e: {  	_ =	shalt  }
0x3f: {  	_ =	shalt  }
0x40: {  	_ =	shalt  }
0x41: {  	_ =	shalt  }
0x42: {  	_ =	shalt  }
0x43: {  	_ =	shalt  }
0x44: {  	_ =	shalt  }
0x45: {  	_ =	shalt  }
0x46: {  	_ =	shalt  }
0x47: {  	_ =	shalt  }
0x48: {  	_ =	shalt  }
0x49: {  	_ =	shalt  }
0x4a: {  	_ =	shalt  }
0x4b: {  	_ =	shalt  }
0x4c: {  	_ =	shalt  }
0x4d: {  	_ =	shalt  }
0x4e: {  	_ =	shalt  }
0x4f: {  	_ =	shalt  }
0x50: {  	_ =	shalt  }
0x51: {  	_ =	shalt  }
0x52: {  	_ =	shalt  }
0x53: {  	_ =	shalt  }
0x54: {  	_ =	shalt  }
0x55: {  	_ =	shalt  }
0x56: {  	_ =	shalt  }
0x57: {  	_ =	shalt  }
0x58: {  	_ =	shalt  }
0x59: {  	_ =	shalt  }
0x5a: {  	_ =	shalt  }
0x5b: {  	_ =	shalt  }
0x5c: {  	_ =	shalt  }
0x5d: {  	_ =	shalt  }
0x5e: {  	_ =	shalt  }
0x5f: {  	_ =	shalt  }
0x60: {  	_ =	shalt  }
0x61: {  	_ =	shalt  }
0x62: {  	_ =	shalt  }
0x63: {  	_ =	shalt  }
0x64: {  	_ =	shalt  }
0x65: {  	_ =	shalt  }
0x66: {  	_ =	shalt  }
0x67: {  	_ =	shalt  }
0x68: {  	_ =	shalt  }
0x69: {  	_ =	shalt  }
0x6a: {  	_ =	shalt  }
0x6b: {  	_ =	shalt  }
0x6c: {  	_ =	shalt  }
0x6d: {  	_ =	shalt  }
0x6e: {  	_ =	shalt  }
0x6f: {  	_ =	shalt  }
0x70: {  	_ =	shalt  }
0x71: {  	_ =	shalt  }
0x72: {  	_ =	shalt  }
0x73: {  	_ =	shalt  }
0x74: {  	_ =	shalt  }
0x75: {  	_ =	shalt  }
0x76: {  	_ =	shalt  }
0x77: {  	_ =	shalt  }
0x78: {  	_ =	shalt  }
0x79: {  	_ =	shalt  }
0x7a: {  	_ =	shalt  }
0x7b: {  	_ =	shalt  }
0x7c: {  	_ =	shalt  }
0x7d: {  	_ =	shalt  }
0x7e: {  	_ =	shalt  }
0x7f: {  	_ =	shalt  }
0x80: {  	_ =	shalt  }
0x81: {  	_ =	shalt  }
0x82: {  	_ =	shalt  }
0x83: {  	_ =	shalt  }
0x84: {  	_ =	shalt  }
0x85: {  	_ =	shalt  }
0x86: {  	_ =	shalt  }
0x87: {  	_ =	shalt  }
.Lfunc_end0:
.L_simem_size_0:
called_computation.1_lowered:
.L_overlay_start_0:
0x88: {  	s2 =	sld [smem:$0x3FD9]  }
0x89: {  	s3 =	sld [smem:$0x3FFE];
	_ =	sdelay $0x1  }
0x8a: {  	s1 =	srdreg.scid  }
0x8b: {  	s0 =	sand.u32 $0x1, s1  }
0x8c: {  	s16 =	sshll.u32 s0, $0xA;
	s2 =	sadd.s32 s3, s2  }
0x8d: {  	s2 =	sadd.s32 s2, s16  }
0x8e: {  	[smem:$0x3FC4] =	sst s2  }
0x8f: {  	_ = 	snop  }
0x90: {  	(tm) =	ssettm $0x1  }
0x91: {  	s17 =	sld [smem:$0x3FFB];
	_ =	sdelay $0x3  }
0x92: {  	_ =	strace s17  }
0x93: {  	s2 =	sld [smem:$0x3FFC];
	_ =	sdelay $0x3  }
0x94: {  	_ =	strace s2  }
0x95: {  	s2 =	sld [smem:$0x3FFD];
	_ =	sdelay $0x3  }
0x96: {  	_ =	strace s2  }
0x97: {  	_ =	strace $0x8FFFFFFF  }
0x98: {  	s18 =	sld [smem:$0x3FDB];
	_ =	sdelay $0x1  }
0x99: {  	s19 =	simm.s32 $_scs_section_size  }
0x9a: {  	s4 =	simm.s32 $_size__tile_overlayer_lowered;
	s5 =	simm.s32 $_tile_overlayer_lowered  }
0x9b: {  	s22 =	simm.s32 $0x1BFF;
	s21 =	sshll.u32 s5, $0x1;
	s2 =	sadd.s32 s19, s18  }
0x9c: {  	s6 =	simm.s32 $0x0;
	s20 =	sshll.u32 s4, $0x1;
	s4 =	sadd.s32 s21, s2  }
0x9d: {  	[timem:s6], [sflag:s22] =	dma.local [hbm:s4], s20  }
0x9e: {  	_ =	swait.ge [sflag:s22], s20  }
0x9f: {  	s3 =	ssub.s32 $0x0, s20;
	[sflag:s22] =	ssyncset.done $0x0  }
0xa0: {  	[sflag:s22] =	ssyncadd.s32 s3;
	_ =	sdelay $0x1  }
0xa1: {  	s23 =	simm.s32 $0x1B8B  }
0xa2: {  	_ =	swait.ge [sflag:s23], $0x1  }
0xa3: {  	[sflag:s23] =	ssyncset.done $0x0  }
0xa4: {  	s25 =	simm.s32 $0x1B8E;
	s24 =	sld [smem:$0x3FFE];
	[sflag:s23] =	ssyncadd.s32 $0xFFFFFFFF  }
0xa5: {  	s26 =	simm.s32 $execute0_lowered;
	[smem:$0x3FD2] =	sst s25  }
0xa6: {  	s4 =	sshll.u32 s26, $0x1;
	_ =	strace $0x80000049;
	[dreg:$0x1] =	wrdreg $0xFFFFFFFF  }
0xa7: {  	s28 =	simm.s32 $_size_execute0_lowered;
	s2 =	sadd.s32 s2, s4;
	[dreg:$0x0] =	wrdreg $0x0  }
0xa8: {  	s4 =	sshll.u32 s28, $0x1;
	[dreg:$0x2] =	wrdreg s2  }
0xa9: {  	[dreg:$0x3] =	wrdreg s4  }
0xaa: {  	[dreg:$0x4] =	wrdreg $0xC0  }
0xab: {  	_ =	task [dreg:s6], $0x5FFFF  }
0xac: {  	[dreg:$0x1] =	wrdreg $0xFFFFFFFF  }
0xad: {  	[dreg:$0x0] =	wrdreg $0x60  }
0xae: {  	[dreg:$0x2] =	wrdreg s24  }
0xaf: {  	[dreg:$0x3] =	wrdreg $0x9  }
0xb0: {  	_ =	task.clear_ibuf [dreg:s6], $0x4FFFF;
	_ =	strace $0x90000049  }
0xb1: {  	s29 =	simm.s32 $0x9;
	_ =	strace $0x8000004B  }
0xb2: {  	_ =	swait.ge [sflag:s29], $0x1  }
0xb3: {  	[sflag:s29] =	ssyncadd.s32 $0xFFFFFFFF  }
0xb4: {  	_ =	strace $0x9000004B  }
0xb5: {  	_ =	sfence  }
0xb6: {  	s30 =	sld [smem:$0x0];
	_ =	sdelay $0x2  }
0xb7: {  	s31 =	sshll.u32 s1, $0xD;
	s1 =	sshrl.u32 s1, $0x2  }
0xb8: {  	s3 =	sand.u32 $0x4000, s31;
	s1 =	sadd.s32 s1, s30  }
0xb9: {  	s0 =	sor.u32 s3, s0;
	s1 =	sshll.u32 s1, $0x11  }
0xba: {  	s0 =	sor.u32 s1, s0  }
0xbb: {  	s0 =	sadd.s32 $0x8F2B, s0  }
0xbc: {  	[sflag:s0] =	ssyncadd.remote.s32 $0x1  }
0xbd: {  	_ =	sfence.sel $0xFFFF  }
0xbe: {  	[dreg:$0x0] =	wrdreg $0xFFFFFFFF;
	(pc) =	sbr.abs _section_cstart, $3  }
0xbf: {  	[dreg:$0x1] =	wrdreg $0xFFFFFFFF  }
0xc0: {  	_ =	task.clear_ibuf [dreg:s6], $0x2FFFF;
	_ =	strace $0x9FFFFFFF  }
0xc1: {  	(tm) =	ssettm $0x7FFFFFFF  }
tec
execute0_lowered:
.L_overlay_start_1:
0x0: {  	(tag) =	ssettag $0x1  }
0x1: {  	s4 =	rddreg [dreg:$0x0]  }
0x2: {  	s2 =	simm.s32 $0x0;
	s3 =	srdreg.scid;
	s1 =	stileid.u32  }
0x3: {  	s18 =	simm.s32 $0x800;
	s19 =	simm.s32 $0x3;
	s20 =	simm.s32 $0x2  }
0x4: {  	s21 =	simm.s32 $0x8800;
	s22 =	simm.s32 $0x4;
	s23 =	simm.s32 $0x5  }
0x5: {  	s24 =	simm.s32 $0x6;
	s25 =	simm.s32 $0x0;
	s10 =	smul.u32 $0xC800, s1  }
0x6: {  	[smem:$0x7FF] =	sst s2;
	s9 =	sand.u32 $0x1, s3;
	s12 =	smul.u32 $0x190000, s1  }
0x7: {  	s5 =	sshll.u32 s1, $0x1;
	s3 =	sadd.s32 $0x19C00, s4;
	s11 =	smul.u32 $0x6400, s9  }
0x8: {  	s15 =	sadd.s32 $0xC00, s4;
	s5 =	sor.u32 s9, s5;
	s14 =	smul.u32 $0xC8000, s9  }
0x9: {  	s4 =	sadd.s32 $0x419C00, s4;
	s6 =	ssub.s32 $0x2, s9;
	s7 =	smul.u32 $0xC8000, s5  }
0xa: {  	_ =	strace $0x8000004A;
	s8 =	sshrl.u32 s6, $0x1;
	s5 =	smul.u32 $0x6400, s5  }
0xb: {  	s8 =	ssub.s32 s6, s8;
	s13 =	sadd.s32 s11, s10;
	s14 =	sadd.s32 s14, s12  }
0xc: {  	s26 =	sshrl.u32 s7, $0x3;
	s28 =	sshrl.u32 s5, $0x3;
	s8 =	smax.u32 s8, $0x1  }
0xd: {  	s16 =	sadd.s32 $0x1000, s13;
	s29 =	sadd.s32 $0x18000, s14;
	s17 =	sadd.s32 $0xC00, s13  }
0xe: {  	s13 =	sadd.s32 $0x10000, s14;
	s5 =	sadd.s32 s4, s26;
	s6 =	sadd.s32 s15, s28  }
0xf: {  	s16 =	sshrl.u32 s16, $0x3;
	s30 =	sshrl.u32 s29, $0x3;
	s31 =	sshrl.u32 s17, $0x3  }
0x10: {  	s17 =	simm.s32 $0x1;
	s7 =	sadd.s32 $0x18000, s5;
	s9 =	sadd.s32 $0x80, s6  }
0x11: {  	s10 =	sadd.s32 $0x100, s6;
	s11 =	sadd.s32 $0x1000, s5;
	s12 =	sadd.s32 s16, s15  }
0x12: {  	s14 =	sadd.s32 s30, s4;
	s15 =	sadd.s32 s31, s15;
	s16 =	simm.s32 $0x400  }
.LBB2_1:
0x13: {  	[tilespmem:s2], [sflag:$0x1] =	stream.linear.gather [hbm4b:s6+s2], $0x400, $0x38;
	[tilespmem:$0x10800] =	vst v63  }
0x14: {  	_ = 	snop  }
0x15: {  	[tilespmem:s16], [sflag:$0x2] =	stream.linear.gather [hbm4b:s9+s2], $0x400, $0x38;
	[tilespmem:$0x10800] =	vst v63  }
0x16: {  	_ =	swait.ge [sflag:s17], $0x400  }
0x17: {  	[sflag:s17] =	ssyncset.done $0x0  }
0x18: {  	[sflag:s17] =	ssyncadd.s32 $0xFFFFFC00  }
0x19: {  	[tilespmem:s18], [sflag:$0x3] =	stream.indirect.gather [hbm4b:s3+s16], $0x20, s2, s16, $0xb8;
	[tilespmem:$0x10800] =	vst v63  }
0x1a: {  	_ =	swait.ge [sflag:s19], $0x8000  }
0x1b: {  	[sflag:s19] =	ssyncset.done $0x0  }
0x1c: {  	[sflag:s19] =	ssyncadd.s32 $0xFFFF8000  }
0x1d: {  	[hbm4b:s5+s2] =	stream.linear.scatter [tilespmem:s18], [sflag:$0x5], $0x8000, $0x38;
	[tilespmem:$0x10800] =	vst v63  }
0x1e: {  	_ = 	snop  }
0x1f: {  	[tilespmem:s2], [sflag:$0x1] =	stream.linear.gather [hbm4b:s10+s2], $0x400, $0x38;
	[tilespmem:$0x10800] =	vst v63  }
0x20: {  	_ =	swait.ge [sflag:s20], $0x400  }
0x21: {  	[sflag:s20] =	ssyncset.done $0x0  }
0x22: {  	[sflag:s20] =	ssyncadd.s32 $0xFFFFFC00  }
0x23: {  	[tilespmem:s21], [sflag:$0x4] =	stream.indirect.gather [hbm4b:s3+s16], $0x20, s16, s16, $0xb8;
	[tilespmem:$0x10800] =	vst v63  }
0x24: {  	_ =	swait.ge [sflag:s22], $0x8000  }
0x25: {  	[sflag:s22] =	ssyncset.done $0x0  }
0x26: {  	[sflag:s22] =	ssyncadd.s32 $0xFFFF8000  }
0x27: {  	[hbm4b:s11+s2] =	stream.linear.scatter [tilespmem:s21], [sflag:$0x6], $0x8000, $0x38;
	[tilespmem:$0x10800] =	vst v63  }
0x28: {  	s26 =	sadd.s32 $0x0, s15  }
0x29: {  	[tilespmem:s16], [sflag:$0x2] =	stream.linear.gather [hbm4b:s26+s2], $0x400, $0x38;
	[tilespmem:$0x10800] =	vst v63  }
0x2a: {  	_ =	swait.ge [sflag:s17], $0x400  }
0x2b: {  	[sflag:s17] =	ssyncset.done $0x0  }
0x2c: {  	[sflag:s17] =	ssyncadd.s32 $0xFFFFFC00  }
0x2d: {  	_ =	swait.ge [sflag:s23], $0x8000  }
0x2e: {  	[sflag:s23] =	ssyncset.done $0x0  }
0x2f: {  	[sflag:s23] =	ssyncadd.s32 $0xFFFF8000  }
0x30: {  	[tilespmem:s18], [sflag:$0x3] =	stream.indirect.gather [hbm4b:s3+s16], $0x20, s2, s16, $0xb8;
	[tilespmem:$0x10800] =	vst v63  }
0x31: {  	_ =	swait.ge [sflag:s19], $0x8000  }
0x32: {  	s0 =	sshrl.u32 s13, $0x3;
	[sflag:s19] =	ssyncset.done $0x0  }
0x33: {  	s26 =	sadd.s32 s4, s0;
	[sflag:s19] =	ssyncadd.s32 $0xFFFF8000  }
0x34: {  	[hbm4b:s26+s2] =	stream.linear.scatter [tilespmem:s18], [sflag:$0x5], $0x8000, $0x38;
	[tilespmem:$0x10800] =	vst v63  }
0x35: {  	s31 =	sadd.s32 $0x0, s12  }
0x36: {  	[tilespmem:s2], [sflag:$0x1] =	stream.linear.gather [hbm4b:s31+s2], $0x400, $0x38;
	[tilespmem:$0x10800] =	vst v63  }
0x37: {  	_ =	swait.ge [sflag:s20], $0x400  }
0x38: {  	[sflag:s20] =	ssyncset.done $0x0  }
0x39: {  	[sflag:s20] =	ssyncadd.s32 $0xFFFFFC00  }
0x3a: {  	_ =	swait.ge [sflag:s24], $0x8000  }
0x3b: {  	[sflag:s24] =	ssyncset.done $0x0  }
0x3c: {  	[sflag:s24] =	ssyncadd.s32 $0xFFFF8000  }
0x3d: {  	[tilespmem:s21], [sflag:$0x4] =	stream.indirect.gather [hbm4b:s3+s16], $0x20, s16, s16, $0xb8;
	[tilespmem:$0x10800] =	vst v63  }
0x3e: {  	_ =	swait.ge [sflag:s22], $0x8000  }
0x3f: {  	s28 =	sadd.s32 $0x10000, s13;
	s29 =	sadd.s32 $0x2000, s14;
	[sflag:s22] =	ssyncset.done $0x0  }
0x40: {  	s30 =	smov.u32 s14;
	s26 =	simm.s32 $0x100;
	[sflag:s22] =	ssyncadd.s32 $0xFFFF8000  }
.LBB2_2:
0x41: {  	[hbm4b:s30+s2] =	stream.linear.scatter [tilespmem:s21], [sflag:$0x6], $0x8000, $0x38;
	[tilespmem:$0x10800] =	vst v63  }
0x42: {  	s31 =	smov.u32 s26;
	s30 =	smov.u32 s29  }
0x43: {  	p0 =	sne.s32 s26, $0xA00;
	s26 =	sadd.s32 $0x100, s26;
	s0 =	sadd.s32 s31, s15  }
0x44: {  	[tilespmem:s16], [sflag:$0x2] =	stream.linear.gather [hbm4b:s0+s2], $0x400, $0x38;
	[tilespmem:$0x10800] =	vst v63  }
0x45: {  	_ =	swait.ge [sflag:s17], $0x400  }
0x46: {  	[sflag:s17] =	ssyncset.done $0x0  }
0x47: {  	[sflag:s17] =	ssyncadd.s32 $0xFFFFFC00  }
0x48: {  	_ =	swait.ge [sflag:s23], $0x8000  }
0x49: {  	[sflag:s23] =	ssyncset.done $0x0  }
0x4a: {  	[sflag:s23] =	ssyncadd.s32 $0xFFFF8000  }
0x4b: {  	[tilespmem:s18], [sflag:$0x3] =	stream.indirect.gather [hbm4b:s3+s16], $0x20, s2, s16, $0xb8;
	[tilespmem:$0x10800] =	vst v63  }
0x4c: {  	_ =	swait.ge [sflag:s19], $0x8000  }
0x4d: {  	s0 =	sshrl.u32 s28, $0x3;
	[sflag:s19] =	ssyncset.done $0x0  }
0x4e: {  	s0 =	sadd.s32 s4, s0;
	[sflag:s19] =	ssyncadd.s32 $0xFFFF8000  }
0x4f: {  	[hbm4b:s0+s2] =	stream.linear.scatter [tilespmem:s18], [sflag:$0x5], $0x8000, $0x38;
	[tilespmem:$0x10800] =	vst v63  }
0x50: {  	s0 =	sadd.s32 s31, s12  }
0x51: {  	[tilespmem:s2], [sflag:$0x1] =	stream.linear.gather [hbm4b:s0+s2], $0x400, $0x38;
	[tilespmem:$0x10800] =	vst v63  }
0x52: {  	_ =	swait.ge [sflag:s20], $0x400  }
0x53: {  	[sflag:s20] =	ssyncset.done $0x0  }
0x54: {  	[sflag:s20] =	ssyncadd.s32 $0xFFFFFC00  }
0x55: {  	_ =	swait.ge [sflag:s24], $0x8000  }
0x56: {  	[sflag:s24] =	ssyncset.done $0x0  }
.Ltmp0:
0x57: {  	[sflag:s24] =	ssyncadd.s32 $0xFFFF8000;
	(pc) =	sbr.rel @p0 .LBB2_2-.Ltmp0, $4  }
0x58: {  	[tilespmem:s21], [sflag:$0x4] =	stream.indirect.gather [hbm4b:s3+s16], $0x20, s16, s16, $0xb8;
	[tilespmem:$0x10800] =	vst v63  }
0x59: {  	_ =	swait.ge [sflag:s22], $0x8000  }
0x5a: {  	[sflag:s22] =	ssyncset.done $0x0  }
0x5b: {  	s29 =	sadd.s32 $0x2000, s29;
	s28 =	sadd.s32 $0x10000, s28;
	[sflag:s22] =	ssyncadd.s32 $0xFFFF8000  }
0x5c: {  	[hbm4b:s30+s2] =	stream.linear.scatter [tilespmem:s21], [sflag:$0x6], $0x8000, $0x38;
	[tilespmem:$0x10800] =	vst v63  }
0x5d: {  	_ =	swait.ge [sflag:s17], $0x400  }
0x5e: {  	[sflag:s17] =	ssyncset.done $0x0  }
0x5f: {  	[sflag:s17] =	ssyncadd.s32 $0xFFFFFC00  }
0x60: {  	_ =	swait.ge [sflag:s23], $0x8000  }
0x61: {  	[sflag:s23] =	ssyncset.done $0x0  }
0x62: {  	[sflag:s23] =	ssyncadd.s32 $0xFFFF8000  }
0x63: {  	[tilespmem:s18], [sflag:$0x3] =	stream.indirect.gather [hbm4b:s3+s16], $0x20, s2, s16, $0xb8;
	[tilespmem:$0x10800] =	vst v63  }
0x64: {  	_ =	swait.ge [sflag:s19], $0x8000  }
0x65: {  	[sflag:s19] =	ssyncset.done $0x0  }
0x66: {  	s25 =	sadd.s32 $0x1, s25;
	[sflag:s19] =	ssyncadd.s32 $0xFFFF8000  }
0x67: {  	[hbm4b:s7+s2] =	stream.linear.scatter [tilespmem:s18], [sflag:$0x5], $0x8000, $0x38;
	[tilespmem:$0x10800] =	vst v63  }
0x68: {  	p0 =	sne.s32 s25, s8;
	_ =	swait.ge [sflag:s24], $0x8000  }
.Ltmp1:
0x69: {  	[sflag:s24] =	ssyncset.done $0x0;
	(pc) =	sbr.rel @p0 .LBB2_1-.Ltmp1, $4  }
0x6a: {  	[sflag:s24] =	ssyncadd.s32 $0xFFFF8000  }
0x6b: {  	_ =	swait.ge [sflag:s23], $0x8000  }
0x6c: {  	[sflag:s23] =	ssyncset.done $0x0  }
0x6d: {  	[sflag:s23] =	ssyncadd.s32 $0xFFFF8000  }
0x6e: {  	_ =	sfence.sel $0x180000  }
0x6f: {  	[bflag:$0x0] =	sbarrier.arrive $0xFFFF  }
0x70: {  	_ =	strace $0x9000004A  }
0x71: {  	[bflag:$0x2] =	sbarrier.arrive $0xFFFF  }
0x72: {  	p0 =	sne.s32 s1, $0x0;
	s0 =	rddreg [dreg:$0x1]  }
0x73: {  	s0 =	sadd.s32 @!p0 $0x100000, s0  }
0x74: {  	[sflag:s0] =	ssyncadd.tile.s32 @!p0 $0x1;
	_ =	shalt  }
.Lfunc_end2:
_tile_overlayer_lowered:
.L_overlay_start_2:
0x75: {  	(tag) =	ssettag $0x2  }
0x76: {  	s0 =	rddreg [dreg:$0x0];
	s2 =	stileid.u32  }
0x77: {  	s1 =	rddreg [dreg:$0x1];
	p0 =	sne.s32 s2, $0x0  }
0x78: {  	s3 =	rddreg [dreg:$0x2];
	[bflag:$0x3] =	sbarrier.arrive $0xFFFF;
	s2 =	simm.s32 @!p0 $0x1C07  }
0x79: {  	[timem:s3], [sflag:s2] =	dma.local @!p0 [hbm:s0], s1  }
0x7a: {  	s0 =	simm.s32 @!p0 $0x7  }
0x7b: {  	_ =	swait.ge @!p0 [sflag:s0], s1  }
0x7c: {  	s1 =	ssub.s32 @!p0 $0x0, s1;
	[sflag:s0] =	ssyncset.done @!p0 $0x0  }
0x7d: {  	[sflag:s0] =	ssyncadd.s32 @!p0 s1  }
0x7e: {  	[bflag:$0x3] =	sbarrier.arrive $0xFFFF  }
0x7f: {  	_ =	shalt  }

</sc_bundles>
